<compile_context>
chip_gen: v7x
topology: tpu7x:2x2x1
jax: 0.10.2.dev20260603
libtpu: 0.0.44.dev20260713+nightly
codegen_flags: <defaults>
</compile_context>

<pallas_src>
import functools

import jax
import jax.numpy as jnp
import numpy as np
from jax import lax
from jax.experimental import pallas as pl
from jax.experimental.pallas import tpu as pltpu
from jax.experimental.pallas import tpu_sc as plsc

N = 1048576
NC = 2
NS = 16
L = 16
NB = 1 << 16
KSH = 16
ET = N // NS
W = 2048
NWIN = ET // W
VPW = W // L
RPW = W // 128
CGW = 8192
BT = NB // NS
CB = BT
NCH = BT // CB

_MEAN = (N - 1) / 2.0
_SS = np.float64(N) * (np.float64(N) ** 2 - 1.0) / 12.0
_DENOM = np.float32(np.sqrt(_SS * _SS) + 1e-6)

_MIN32 = np.int32(-(2 ** 31))


def _sc_body(xs_hbm, out_hbm, ibuf, ibuf2, idc, xbuf, xbuf2, dbuf, rbuf,
             rbuf2, cbuf, pbuf, onesb, totv, tota, hist_sp, tot_sp, sem,
             semx0, semx1, semw):
    c = lax.axis_index("c")
    s = lax.axis_index("s")
    base_e = s * ET
    zero16 = jnp.zeros((L,), jnp.float32)
    one16 = jnp.full((L,), 1.0, jnp.float32)

    for j in range(128 // L):
        onesb[pl.ds(j * L, L)] = one16

    def _zb(i, carry):
        pbuf[pl.ds(i * L, L)] = zero16
        return carry

    lax.fori_loop(0, CB // L, _zb, 0)

    def _zh(ch, carry):
        pltpu.sync_copy(pbuf, hist_sp.at[pl.ds(s * BT + ch * CB, CB)])
        return carry

    lax.fori_loop(0, NCH, _zh, 0)
    plsc.subcore_barrier()

    def _keys(w, xb, ib):
        def _kb(j, kc):
            for u in range(8):
                x = xb[pl.ds(j * 128 + u * L, L)]
                b = lax.bitcast_convert_type(x, jnp.int32)
                k = b ^ (lax.shift_right_arithmetic(b, 31) | _MIN32)
                bk = lax.shift_right_logical(k, KSH)
                ib[j, pl.ds(u * L, L)] = bk
                idc[pl.ds(w * W + j * 128 + u * L, L)] = bk
            return kc

        lax.fori_loop(0, RPW, _kb, 0)

    def _fire16(ib):
        for j in range(RPW):
            pltpu.async_copy(onesb, hist_sp.at[ib.at[j]], sem, add=True)

    def _drain16():
        pltpu.make_async_copy(xs_hbm.at[c, pl.ds(0, W)], dbuf, sem).wait()

    def _xsrc(w):
        return xs_hbm.at[c, pl.ds(base_e + w * W, W)]

    pltpu.async_copy(_xsrc(0), xbuf, semx0)

    def _phase_a(i, carry):
        w0 = 2 * i
        pltpu.make_async_copy(_xsrc(w0), xbuf, semx0).wait()
        pltpu.async_copy(_xsrc(w0 + 1), xbuf2, semx1)
        _keys(w0, xbuf, ibuf)

        @pl.when(i != 0)
        def _():
            _drain16()

        _fire16(ibuf)
        pltpu.make_async_copy(_xsrc(w0 + 1), xbuf2, semx1).wait()
        wn = jnp.minimum(w0 + 2, NWIN - 1)
        pltpu.async_copy(_xsrc(wn), xbuf, semx0)
        _keys(w0 + 1, xbuf2, ibuf2)
        _drain16()
        _fire16(ibuf2)
        return carry

    lax.fori_loop(0, NWIN // 2, _phase_a, 0)
    _drain16()
    pltpu.make_async_copy(_xsrc(NWIN - 1), xbuf, semx0).wait()
    plsc.subcore_barrier()

    def _tot_ch(ch, acc):
        pltpu.sync_copy(hist_sp.at[pl.ds(s * BT + ch * CB, CB)], cbuf)

        def _tot_v(v, a):
            return a + cbuf[pl.ds(v * L, L)]

        return lax.fori_loop(0, CB // L, _tot_v, acc)

    acc = lax.fori_loop(0, NCH, _tot_ch, zero16)
    tile_total = jnp.sum(acc, axis=0)
    for j in range(128 // L):
        totv[pl.ds(j * L, L)] = jnp.full((L,), tile_total)
    pltpu.sync_copy(totv, tot_sp.at[s])
    plsc.subcore_barrier()
    pltpu.sync_copy(tot_sp, tota)
    off_acc = zero16
    for j in range(NS - 1):
        off_acc = off_acc + jnp.where(jnp.full((L,), j, jnp.int32) < s,
                                      tota[j, pl.ds(0, L)], zero16)
    off = jnp.sum(off_acc, axis=0) * (1.0 / L)

    def _rank_ch(ch, run):
        boff = s * BT + ch * CB
        pltpu.sync_copy(hist_sp.at[pl.ds(boff, CB)], cbuf)

        def _rank_v(v, rn):
            cv = cbuf[pl.ds(v * L, L)]
            p = plsc.cumsum(cv) + rn
            pbuf[pl.ds(v * L, L)] = p - (cv + 1.0) * 0.5
            return rn + jnp.sum(cv, axis=0)

        run2 = lax.fori_loop(0, CB // L, _rank_v, run)
        pltpu.sync_copy(pbuf, hist_sp.at[pl.ds(boff, CB)])
        return run2

    lax.fori_loop(0, NCH, _rank_ch, off)
    plsc.subcore_barrier()

    def _gsl(i):
        return hist_sp.at[idc.at[pl.ds(i * CGW, CGW)]]

    def _osl(i):
        return out_hbm.at[c, pl.ds(base_e + i * CGW, CGW)]

    NCK = ET // CGW

    def _phase_c(i, carry):
        c0 = 2 * i
        pltpu.async_copy(_gsl(c0), rbuf, sem).wait()

        @pl.when(i != 0)
        def _():
            pltpu.make_async_copy(rbuf2, _osl(c0 - 1), semw).wait()

        pltpu.async_copy(rbuf, _osl(c0), semw)
        pltpu.async_copy(_gsl(c0 + 1), rbuf2, sem).wait()
        pltpu.make_async_copy(rbuf, _osl(c0), semw).wait()
        pltpu.async_copy(rbuf2, _osl(c0 + 1), semw)
        return carry

    lax.fori_loop(0, NCK // 2, _phase_c, 0)
    pltpu.make_async_copy(rbuf2, _osl(NCK - 1), semw).wait()


_sc_ranks = functools.partial(
    pl.kernel,
    out_type=jax.ShapeDtypeStruct((NC, N), jnp.float32),
    mesh=plsc.VectorSubcoreMesh(core_axis_name="c", subcore_axis_name="s",
                                num_cores=NC, num_subcores=NS),
    scratch_types=[
        pltpu.VMEM((RPW, 128), jnp.int32),
        pltpu.VMEM((RPW, 128), jnp.int32),
        pltpu.VMEM((ET,), jnp.int32),
        pltpu.VMEM((W,), jnp.float32),
        pltpu.VMEM((W,), jnp.float32),
        pltpu.VMEM((W,), jnp.float32),
        pltpu.VMEM((CGW,), jnp.float32),
        pltpu.VMEM((CGW,), jnp.float32),
        pltpu.VMEM((CB,), jnp.float32),
        pltpu.VMEM((CB,), jnp.float32),
        pltpu.VMEM((128,), jnp.float32),
        pltpu.VMEM((128,), jnp.float32),
        pltpu.VMEM((NS, 128), jnp.float32),
        pltpu.VMEM_SHARED((NB,), jnp.float32),
        pltpu.VMEM_SHARED((NS, 128), jnp.float32),
        pltpu.SemaphoreType.DMA,
        pltpu.SemaphoreType.DMA,
        pltpu.SemaphoreType.DMA,
        pltpu.SemaphoreType.DMA,
    ],
    compiler_params=pltpu.CompilerParams(needs_layout_passes=False),
)(_sc_body)


def _tc_body(a_ref, b_ref, o_ref):
    pa = a_ref[...] - np.float32(_MEAN)
    pb = b_ref[...] - np.float32(_MEAN)
    num = jnp.sum(jnp.sum(pa * pb, axis=1), axis=0)
    o_ref[0, 0] = 1.0 - num / _DENOM


def kernel(pred, target):
    xs = jnp.stack([pred, target])
    ranks = _sc_ranks(xs)
    a = ranks[0].reshape(1024, 1024)
    b = ranks[1].reshape(1024, 1024)
    out = pl.pallas_call(
        _tc_body,
        out_shape=jax.ShapeDtypeStruct((1, 1), jnp.float32),
        out_specs=pl.BlockSpec(memory_space=pltpu.SMEM),
    )(a, b)
    return out[0, 0]

# --- scband reference (transcript-rebuilt; emitter-appended) ---
"""Pipeline reference for scband-spearman-corr-90048284328673 (READ-ONLY COPY).

The authoritative reference and input builder live on the scoring server;
editing this copy changes nothing except your own understanding.
"""

import jax, jax.numpy as jnp
import numpy as np


def setup_inputs(seed: int = 0) -> dict:
    key = jax.random.key(seed)
    k1, k2 = jax.random.split(key)
    pred = jax.random.normal(k1, (1048576,), dtype=jnp.float32)
    target = jax.random.normal(k2, (1048576,), dtype=jnp.float32)
    return {"pred": pred, "target": target}


def reference(pred, target):
    pred_rank = jnp.argsort(jnp.argsort(pred, axis=0), axis=0).astype(jnp.float32)
    target_rank = jnp.argsort(jnp.argsort(target, axis=0), axis=0).astype(jnp.float32)
    pred_centered = pred_rank - pred_rank.mean()
    target_centered = target_rank - target_rank.mean()
    pearson = (pred_centered * target_centered).sum() / (
        jnp.sqrt((pred_centered ** 2).sum() * (target_centered ** 2).sum()) + 1e-06
    )
    return 1.0 - pearson

if __name__ == "__main__":
    import jax
    _d = setup_inputs()
    print(jax.jit(kernel)(*tuple(_d.values())))

</pallas_src>

<mosaic_0001>
#map = affine_map<(d0, d1) -> (0, 0)>
module attributes {stable_mosaic.version = 14 : i64} {
  func.func @_sc_body(%arg0: i32, %arg1: i32, %arg2: memref<2x1048576xf32, #tpu.memory_space<hbm>>, %arg3: memref<2x1048576xf32, #tpu.memory_space<hbm>>, %arg4: memref<16x128xi32, #tpu.memory_space<vmem>>, %arg5: memref<16x128xi32, #tpu.memory_space<vmem>>, %arg6: memref<65536xi32, #tpu.memory_space<vmem>>, %arg7: memref<2048xf32, #tpu.memory_space<vmem>>, %arg8: memref<2048xf32, #tpu.memory_space<vmem>>, %arg9: memref<2048xf32, #tpu.memory_space<vmem>>, %arg10: memref<8192xf32, #tpu.memory_space<vmem>>, %arg11: memref<8192xf32, #tpu.memory_space<vmem>>, %arg12: memref<4096xf32, #tpu.memory_space<vmem>>, %arg13: memref<4096xf32, #tpu.memory_space<vmem>>, %arg14: memref<128xf32, #tpu.memory_space<vmem>>, %arg15: memref<128xf32, #tpu.memory_space<vmem>>, %arg16: memref<16x128xf32, #tpu.memory_space<vmem>>, %arg17: memref<65536xf32, #tpu.memory_space<vmem_shared>>, %arg18: memref<16x128xf32, #tpu.memory_space<vmem_shared>>, %arg19: memref<!tpu.dma_semaphore, #tpu.memory_space<semaphore_mem>>, %arg20: memref<!tpu.dma_semaphore, #tpu.memory_space<semaphore_mem>>, %arg21: memref<!tpu.dma_semaphore, #tpu.memory_space<semaphore_mem>>, %arg22: memref<!tpu.dma_semaphore, #tpu.memory_space<semaphore_mem>>) attributes {dimension_semantics = [#tpu.dimension_semantics<core_parallel>, #tpu.dimension_semantics<subcore_parallel>], iteration_bounds = array<i64: 2, 16>, scalar_prefetch = 0 : i64, scratch_operands = 19 : i64, tpu.core_type = #tpu.core_type<sc_vector_subcore>, window_params = [{transform_indices = #map}, {transform_indices = #map}]} {
    %mul3A = arith.constant 65536 : i32
    %mul3A_0 = arith.muli %arg1, %mul3A : i32
    %broadcast_in_dim3A = arith.constant 0.000000e+00 : f32
    %broadcast_in_dim3A_1 = vector.broadcast %broadcast_in_dim3A : f32 to vector<16xf32>
    %broadcast_in_dim3A_2 = arith.constant 1.000000e+00 : f32
    %broadcast_in_dim3A_3 = vector.broadcast %broadcast_in_dim3A_2 : f32 to vector<16xf32>
    %swap3A = arith.constant 0 : index
    %swap3A_4 = tpu.vector_load %arg14[%swap3A] {strides = array<i32>} : memref<128xf32, #tpu.memory_space<vmem>>, vector<16xf32>,
    tpu.vector_store %arg14[%swap3A], %broadcast_in_dim3A_3 {strides = array<i32>} : memref<128xf32, #tpu.memory_space<vmem>>, vector<16xf32>,
    %swap3A_5 = arith.constant 16 : index
    %swap3A_6 = tpu.vector_load %arg14[%swap3A_5] {strides = array<i32>} : memref<128xf32, #tpu.memory_space<vmem>>, vector<16xf32>,
    tpu.vector_store %arg14[%swap3A_5], %broadcast_in_dim3A_3 {strides = array<i32>} : memref<128xf32, #tpu.memory_space<vmem>>, vector<16xf32>,
    %swap3A_7 = arith.constant 32 : index
    %swap3A_8 = tpu.vector_load %arg14[%swap3A_7] {strides = array<i32>} : memref<128xf32, #tpu.memory_space<vmem>>, vector<16xf32>,
    tpu.vector_store %arg14[%swap3A_7], %broadcast_in_dim3A_3 {strides = array<i32>} : memref<128xf32, #tpu.memory_space<vmem>>, vector<16xf32>,
    %swap3A_9 = arith.constant 48 : index
    %swap3A_10 = tpu.vector_load %arg14[%swap3A_9] {strides = array<i32>} : memref<128xf32, #tpu.memory_space<vmem>>, vector<16xf32>,
    tpu.vector_store %arg14[%swap3A_9], %broadcast_in_dim3A_3 {strides = array<i32>} : memref<128xf32, #tpu.memory_space<vmem>>, vector<16xf32>,
    %swap3A_11 = arith.constant 64 : index
    %swap3A_12 = tpu.vector_load %arg14[%swap3A_11] {strides = array<i32>} : memref<128xf32, #tpu.memory_space<vmem>>, vector<16xf32>,
    tpu.vector_store %arg14[%swap3A_11], %broadcast_in_dim3A_3 {strides = array<i32>} : memref<128xf32, #tpu.memory_space<vmem>>, vector<16xf32>,
    %swap3A_13 = arith.constant 80 : index
    %swap3A_14 = tpu.vector_load %arg14[%swap3A_13] {strides = array<i32>} : memref<128xf32, #tpu.memory_space<vmem>>, vector<16xf32>,
    tpu.vector_store %arg14[%swap3A_13], %broadcast_in_dim3A_3 {strides = array<i32>} : memref<128xf32, #tpu.memory_space<vmem>>, vector<16xf32>,
    %swap3A_15 = arith.constant 96 : index
    %swap3A_16 = tpu.vector_load %arg14[%swap3A_15] {strides = array<i32>} : memref<128xf32, #tpu.memory_space<vmem>>, vector<16xf32>,
    tpu.vector_store %arg14[%swap3A_15], %broadcast_in_dim3A_3 {strides = array<i32>} : memref<128xf32, #tpu.memory_space<vmem>>, vector<16xf32>,
    %swap3A_17 = arith.constant 112 : index
    %swap3A_18 = tpu.vector_load %arg14[%swap3A_17] {strides = array<i32>} : memref<128xf32, #tpu.memory_space<vmem>>, vector<16xf32>,
    tpu.vector_store %arg14[%swap3A_17], %broadcast_in_dim3A_3 {strides = array<i32>} : memref<128xf32, #tpu.memory_space<vmem>>, vector<16xf32>,
    %scan3A = arith.constant 0 : i32
    %scan3A_19 = arith.constant 0 : i32
    %scan3A_20 = arith.constant 256 : i32
    %scan3A_21 = arith.addi %scan3A_19, %scan3A_20 : i32
    %scan3A_22 = arith.constant 1 : i32
    scf.for %scan3A_274 = %scan3A_19 to %scan3A_21 step %scan3A_22  : i32 {
      %mul3A_275 = arith.constant 16 : i32
      %mul3A_276 = arith.muli %scan3A_274, %mul3A_275 : i32
      %swap3A_277 = arith.index_cast %mul3A_276 : i32 to index
      %swap3A_278 = tpu.vector_load %arg13[%swap3A_277] {strides = array<i32>} : memref<4096xf32, #tpu.memory_space<vmem>>, vector<16xf32>,
      tpu.vector_store %arg13[%swap3A_277], %broadcast_in_dim3A_1 {strides = array<i32>} : memref<4096xf32, #tpu.memory_space<vmem>>, vector<16xf32>,
    }
    %scan3A_23 = arith.constant 256 : i32
    %scan3A_24 = arith.constant 0 : i32
    %scan3A_25 = arith.constant 0 : i32
    %mul3A_26 = arith.constant 4096 : i32
    %mul3A_27 = arith.muli %arg1, %mul3A_26 : i32
    %mul3A_28 = arith.constant 4096 : i32
    %mul3A_29 = arith.muli %scan3A_25, %mul3A_28 : i32
    %add3A = arith.addi %mul3A_27, %mul3A_29 : i32
    "tpu.region"() ({
      %run_scoped3A = tpu.sem_alloc : memref<!tpu.dma_semaphore, #tpu.memory_space<semaphore_mem>>
      %dma_start3A_274 = tpu.memref_slice %arg17[%add3A] : memref<65536xf32, #tpu.memory_space<vmem_shared>> -> memref<4096xf32, #tpu.memory_space<vmem_shared>>
      %dma_start3A_275 = tpu.memref_slice %arg17[%add3A] : memref<65536xf32, #tpu.memory_space<vmem_shared>> -> memref<4096xf32, #tpu.memory_space<vmem_shared>>
      tpu.enqueue_dma source(%arg13 : memref<4096xf32, #tpu.memory_space<vmem>>) target(%dma_start3A_275 : memref<4096xf32, #tpu.memory_space<vmem_shared>>) target_semaphore(%run_scoped3A : memref<!tpu.dma_semaphore, #tpu.memory_space<semaphore_mem>>)
      %dma_wait3A_276 = tpu.memref_slice %arg17[%add3A] : memref<65536xf32, #tpu.memory_space<vmem_shared>> -> memref<4096xf32, #tpu.memory_space<vmem_shared>>
      %dma_wait3A_277 = tpu.memref_slice %arg17[%add3A] : memref<65536xf32, #tpu.memory_space<vmem_shared>> -> memref<4096xf32, #tpu.memory_space<vmem_shared>>
      tpu.wait_dma2 semaphore(%run_scoped3A : memref<!tpu.dma_semaphore, #tpu.memory_space<semaphore_mem>>) src(%arg13 : memref<4096xf32, #tpu.memory_space<vmem>>) dst(%dma_wait3A_277 : memref<4096xf32, #tpu.memory_space<vmem_shared>>)
      tpu.yield
    }) : () -> ()
    %scan3A_30 = arith.constant 1 : i32
    %barrier3A = arith.constant 0 : index
    tpu.barrier barrier_id(%barrier3A)
    %add3A_31 = arith.constant 0 : i32
    %add3A_32 = arith.addi %mul3A_0, %add3A_31 : i32
    %dma_start3A = tpu.memref_slice %arg2[%arg0, %add3A_32] : memref<2x1048576xf32, #tpu.memory_space<hbm>> -> memref<1x2048xf32, #tpu.memory_space<hbm>>
    %dma_start3A_33 = tpu.memref_squeeze %dma_start3A : memref<1x2048xf32, #tpu.memory_space<hbm>> -> memref<2048xf32, #tpu.memory_space<hbm>>
    %dma_start3A_34 = tpu.memref_slice %arg2[%arg0, %add3A_32] : memref<2x1048576xf32, #tpu.memory_space<hbm>> -> memref<1x2048xf32, #tpu.memory_space<hbm>>
    %dma_start3A_35 = tpu.memref_squeeze %dma_start3A_34 : memref<1x2048xf32, #tpu.memory_space<hbm>> -> memref<2048xf32, #tpu.memory_space<hbm>>
    tpu.enqueue_dma source(%dma_start3A_35 : memref<2048xf32, #tpu.memory_space<hbm>>) target(%arg7 : memref<2048xf32, #tpu.memory_space<vmem>>) target_semaphore(%arg20 : memref<!tpu.dma_semaphore, #tpu.memory_space<semaphore_mem>>)
    %scan3A_36 = arith.constant 0 : i32
    %scan3A_37 = arith.constant 0 : i32
    %scan3A_38 = arith.constant 16 : i32
    %scan3A_39 = arith.addi %scan3A_37, %scan3A_38 : i32
    %scan3A_40 = arith.constant 1 : i32
    scf.for %scan3A_274 = %scan3A_37 to %scan3A_39 step %scan3A_40  : i32 {
      %mul3A_275 = arith.constant 2 : i32
      %mul3A_276 = arith.muli %mul3A_275, %scan3A_274 : i32
      %mul3A_277 = arith.constant 2048 : i32
      %mul3A_278 = arith.muli %mul3A_276, %mul3A_277 : i32
      %add3A_279 = arith.addi %mul3A_0, %mul3A_278 : i32
      %dma_wait3A_280 = tpu.memref_slice %arg2[%arg0, %add3A_279] : memref<2x1048576xf32, #tpu.memory_space<hbm>> -> memref<1x2048xf32, #tpu.memory_space<hbm>>
      %dma_wait3A_281 = tpu.memref_squeeze %dma_wait3A_280 : memref<1x2048xf32, #tpu.memory_space<hbm>> -> memref<2048xf32, #tpu.memory_space<hbm>>
      %dma_wait3A_282 = tpu.memref_slice %arg2[%arg0, %add3A_279] : memref<2x1048576xf32, #tpu.memory_space<hbm>> -> memref<1x2048xf32, #tpu.memory_space<hbm>>
      %dma_wait3A_283 = tpu.memref_squeeze %dma_wait3A_282 : memref<1x2048xf32, #tpu.memory_space<hbm>> -> memref<2048xf32, #tpu.memory_space<hbm>>
      tpu.wait_dma2 semaphore(%arg20 : memref<!tpu.dma_semaphore, #tpu.memory_space<semaphore_mem>>) src(%dma_wait3A_283 : memref<2048xf32, #tpu.memory_space<hbm>>) dst(%arg7 : memref<2048xf32, #tpu.memory_space<vmem>>)
      %add3A_284 = arith.constant 1 : i32
      %add3A_285 = arith.addi %mul3A_276, %add3A_284 : i32
      %mul3A_286 = arith.constant 2048 : i32
      %mul3A_287 = arith.muli %add3A_285, %mul3A_286 : i32
      %add3A_288 = arith.addi %mul3A_0, %mul3A_287 : i32
      %dma_start3A_289 = tpu.memref_slice %arg2[%arg0, %add3A_288] : memref<2x1048576xf32, #tpu.memory_space<hbm>> -> memref<1x2048xf32, #tpu.memory_space<hbm>>
      %dma_start3A_290 = tpu.memref_squeeze %dma_start3A_289 : memref<1x2048xf32, #tpu.memory_space<hbm>> -> memref<2048xf32, #tpu.memory_space<hbm>>
      %dma_start3A_291 = tpu.memref_slice %arg2[%arg0, %add3A_288] : memref<2x1048576xf32, #tpu.memory_space<hbm>> -> memref<1x2048xf32, #tpu.memory_space<hbm>>
      %dma_start3A_292 = tpu.memref_squeeze %dma_start3A_291 : memref<1x2048xf32, #tpu.memory_space<hbm>> -> memref<2048xf32, #tpu.memory_space<hbm>>
      tpu.enqueue_dma source(%dma_start3A_292 : memref<2048xf32, #tpu.memory_space<hbm>>) target(%arg8 : memref<2048xf32, #tpu.memory_space<vmem>>) target_semaphore(%arg21 : memref<!tpu.dma_semaphore, #tpu.memory_space<semaphore_mem>>)
      %scan3A_293 = arith.constant 0 : i32
      %scan3A_294 = arith.constant 0 : i32
      %scan3A_295 = arith.constant 16 : i32
      %scan3A_296 = arith.addi %scan3A_294, %scan3A_295 : i32
      %scan3A_297 = arith.constant 1 : i32
      scf.for %scan3A_526 = %scan3A_294 to %scan3A_296 step %scan3A_297  : i32 {
        %mul3A_527 = arith.constant 128 : i32
        %mul3A_528 = arith.muli %scan3A_526, %mul3A_527 : i32
        %add3A_529 = arith.constant 0 : i32
        %add3A_530 = arith.addi %mul3A_528, %add3A_529 : i32
        %get3A_531 = arith.index_cast %add3A_530 : i32 to index
        %get3A_532 = tpu.vector_load %arg7[%get3A_531] {strides = array<i32>} : memref<2048xf32, #tpu.memory_space<vmem>>, vector<16xf32>,
        %bitcast_convert_type3A = tpu.bitcast %get3A_532 : vector<16xf32> -> vector<16xi32>
        %shift_right_arithmetic3A = arith.constant 31 : i32
        %shift_right_arithmetic3A_533 = vector.broadcast %shift_right_arithmetic3A : i32 to vector<16xi32>
        %shift_right_arithmetic3A_534 = arith.shrsi %bitcast_convert_type3A, %shift_right_arithmetic3A_533 : vector<16xi32>
        %or3A = arith.constant -2147483648 : i32
        %or3A_535 = vector.broadcast %or3A : i32 to vector<16xi32>
        %or3A_536 = arith.ori %shift_right_arithmetic3A_534, %or3A_535 : vector<16xi32>
        %xor3A = arith.xori %bitcast_convert_type3A, %or3A_536 : vector<16xi32>
        %shift_right_logical3A = arith.constant 16 : i32
        %shift_right_logical3A_537 = vector.broadcast %shift_right_logical3A : i32 to vector<16xi32>
        %shift_right_logical3A_538 = arith.shrui %xor3A, %shift_right_logical3A_537 : vector<16xi32>
        %swap3A_539 = arith.index_cast %scan3A_526 : i32 to index
        %swap3A_540 = arith.constant 0 : index
        %swap3A_541 = tpu.vector_load %arg4[%swap3A_539, %swap3A_540] {strides = array<i32>} : memref<16x128xi32, #tpu.memory_space<vmem>>, vector<16xi32>,
        tpu.vector_store %arg4[%swap3A_539, %swap3A_540], %shift_right_logical3A_538 {strides = array<i32>} : memref<16x128xi32, #tpu.memory_space<vmem>>, vector<16xi32>,
        %mul3A_542 = arith.constant 2048 : i32
        %mul3A_543 = arith.muli %mul3A_276, %mul3A_542 : i32
        %mul3A_544 = arith.constant 128 : i32
        %mul3A_545 = arith.muli %scan3A_526, %mul3A_544 : i32
        %add3A_546 = arith.addi %mul3A_543, %mul3A_545 : i32
        %add3A_547 = arith.constant 0 : i32
        %add3A_548 = arith.addi %add3A_546, %add3A_547 : i32
        %swap3A_549 = arith.index_cast %add3A_548 : i32 to index
        %swap3A_550 = tpu.vector_load %arg6[%swap3A_549] {strides = array<i32>} : memref<65536xi32, #tpu.memory_space<vmem>>, vector<16xi32>,
        tpu.vector_store %arg6[%swap3A_549], %shift_right_logical3A_538 {strides = array<i32>} : memref<65536xi32, #tpu.memory_space<vmem>>, vector<16xi32>,
        %mul3A_551 = arith.constant 128 : i32
        %mul3A_552 = arith.muli %scan3A_526, %mul3A_551 : i32
        %add3A_553 = arith.constant 16 : i32
        %add3A_554 = arith.addi %mul3A_552, %add3A_553 : i32
        %get3A_555 = arith.index_cast %add3A_554 : i32 to index
        %get3A_556 = tpu.vector_load %arg7[%get3A_555] {strides = array<i32>} : memref<2048xf32, #tpu.memory_space<vmem>>, vector<16xf32>,
        %bitcast_convert_type3A_557 = tpu.bitcast %get3A_556 : vector<16xf32> -> vector<16xi32>
        %shift_right_arithmetic3A_558 = arith.constant 31 : i32
        %shift_right_arithmetic3A_559 = vector.broadcast %shift_right_arithmetic3A_558 : i32 to vector<16xi32>
        %shift_right_arithmetic3A_560 = arith.shrsi %bitcast_convert_type3A_557, %shift_right_arithmetic3A_559 : vector<16xi32>
        %or3A_561 = arith.constant -2147483648 : i32
        %or3A_562 = vector.broadcast %or3A_561 : i32 to vector<16xi32>
        %or3A_563 = arith.ori %shift_right_arithmetic3A_560, %or3A_562 : vector<16xi32>
        %xor3A_564 = arith.xori %bitcast_convert_type3A_557, %or3A_563 : vector<16xi32>
        %shift_right_logical3A_565 = arith.constant 16 : i32
        %shift_right_logical3A_566 = vector.broadcast %shift_right_logical3A_565 : i32 to vector<16xi32>
        %shift_right_logical3A_567 = arith.shrui %xor3A_564, %shift_right_logical3A_566 : vector<16xi32>
        %swap3A_568 = arith.index_cast %scan3A_526 : i32 to index
        %swap3A_569 = arith.constant 16 : index
        %swap3A_570 = tpu.vector_load %arg4[%swap3A_568, %swap3A_569] {strides = array<i32>} : memref<16x128xi32, #tpu.memory_space<vmem>>, vector<16xi32>,
        tpu.vector_store %arg4[%swap3A_568, %swap3A_569], %shift_right_logical3A_567 {strides = array<i32>} : memref<16x128xi32, #tpu.memory_space<vmem>>, vector<16xi32>,
        %mul3A_571 = arith.constant 2048 : i32
        %mul3A_572 = arith.muli %mul3A_276, %mul3A_571 : i32
        %mul3A_573 = arith.constant 128 : i32
        %mul3A_574 = arith.muli %scan3A_526, %mul3A_573 : i32
        %add3A_575 = arith.addi %mul3A_572, %mul3A_574 : i32
        %add3A_576 = arith.constant 16 : i32
        %add3A_577 = arith.addi %add3A_575, %add3A_576 : i32
        %swap3A_578 = arith.index_cast %add3A_577 : i32 to index
        %swap3A_579 = tpu.vector_load %arg6[%swap3A_578] {strides = array<i32>} : memref<65536xi32, #tpu.memory_space<vmem>>, vector<16xi32>,
        tpu.vector_store %arg6[%swap3A_578], %shift_right_logical3A_567 {strides = array<i32>} : memref<65536xi32, #tpu.memory_space<vmem>>, vector<16xi32>,
        %mul3A_580 = arith.constant 128 : i32
        %mul3A_581 = arith.muli %scan3A_526, %mul3A_580 : i32
        %add3A_582 = arith.constant 32 : i32
        %add3A_583 = arith.addi %mul3A_581, %add3A_582 : i32
        %get3A_584 = arith.index_cast %add3A_583 : i32 to index
        %get3A_585 = tpu.vector_load %arg7[%get3A_584] {strides = array<i32>} : memref<2048xf32, #tpu.memory_space<vmem>>, vector<16xf32>,
        %bitcast_convert_type3A_586 = tpu.bitcast %get3A_585 : vector<16xf32> -> vector<16xi32>
        %shift_right_arithmetic3A_587 = arith.constant 31 : i32
        %shift_right_arithmetic3A_588 = vector.broadcast %shift_right_arithmetic3A_587 : i32 to vector<16xi32>
        %shift_right_arithmetic3A_589 = arith.shrsi %bitcast_convert_type3A_586, %shift_right_arithmetic3A_588 : vector<16xi32>
        %or3A_590 = arith.constant -2147483648 : i32
        %or3A_591 = vector.broadcast %or3A_590 : i32 to vector<16xi32>
        %or3A_592 = arith.ori %shift_right_arithmetic3A_589, %or3A_591 : vector<16xi32>
        %xor3A_593 = arith.xori %bitcast_convert_type3A_586, %or3A_592 : vector<16xi32>
        %shift_right_logical3A_594 = arith.constant 16 : i32
        %shift_right_logical3A_595 = vector.broadcast %shift_right_logical3A_594 : i32 to vector<16xi32>
        %shift_right_logical3A_596 = arith.shrui %xor3A_593, %shift_right_logical3A_595 : vector<16xi32>
        %swap3A_597 = arith.index_cast %scan3A_526 : i32 to index
        %swap3A_598 = arith.constant 32 : index
        %swap3A_599 = tpu.vector_load %arg4[%swap3A_597, %swap3A_598] {strides = array<i32>} : memref<16x128xi32, #tpu.memory_space<vmem>>, vector<16xi32>,
        tpu.vector_store %arg4[%swap3A_597, %swap3A_598], %shift_right_logical3A_596 {strides = array<i32>} : memref<16x128xi32, #tpu.memory_space<vmem>>, vector<16xi32>,
        %mul3A_600 = arith.constant 2048 : i32
        %mul3A_601 = arith.muli %mul3A_276, %mul3A_600 : i32
        %mul3A_602 = arith.constant 128 : i32
        %mul3A_603 = arith.muli %scan3A_526, %mul3A_602 : i32
        %add3A_604 = arith.addi %mul3A_601, %mul3A_603 : i32
        %add3A_605 = arith.constant 32 : i32
        %add3A_606 = arith.addi %add3A_604, %add3A_605 : i32
        %swap3A_607 = arith.index_cast %add3A_606 : i32 to index
        %swap3A_608 = tpu.vector_load %arg6[%swap3A_607] {strides = array<i32>} : memref<65536xi32, #tpu.memory_space<vmem>>, vector<16xi32>,
        tpu.vector_store %arg6[%swap3A_607], %shift_right_logical3A_596 {strides = array<i32>} : memref<65536xi32, #tpu.memory_space<vmem>>, vector<16xi32>,
        %mul3A_609 = arith.constant 128 : i32
        %mul3A_610 = arith.muli %scan3A_526, %mul3A_609 : i32
        %add3A_611 = arith.constant 48 : i32
        %add3A_612 = arith.addi %mul3A_610, %add3A_611 : i32
        %get3A_613 = arith.index_cast %add3A_612 : i32 to index
        %get3A_614 = tpu.vector_load %arg7[%get3A_613] {strides = array<i32>} : memref<2048xf32, #tpu.memory_space<vmem>>, vector<16xf32>,
        %bitcast_convert_type3A_615 = tpu.bitcast %get3A_614 : vector<16xf32> -> vector<16xi32>
        %shift_right_arithmetic3A_616 = arith.constant 31 : i32
        %shift_right_arithmetic3A_617 = vector.broadcast %shift_right_arithmetic3A_616 : i32 to vector<16xi32>
        %shift_right_arithmetic3A_618 = arith.shrsi %bitcast_convert_type3A_615, %shift_right_arithmetic3A_617 : vector<16xi32>
        %or3A_619 = arith.constant -2147483648 : i32
        %or3A_620 = vector.broadcast %or3A_619 : i32 to vector<16xi32>
        %or3A_621 = arith.ori %shift_right_arithmetic3A_618, %or3A_620 : vector<16xi32>
        %xor3A_622 = arith.xori %bitcast_convert_type3A_615, %or3A_621 : vector<16xi32>
        %shift_right_logical3A_623 = arith.constant 16 : i32
        %shift_right_logical3A_624 = vector.broadcast %shift_right_logical3A_623 : i32 to vector<16xi32>
        %shift_right_logical3A_625 = arith.shrui %xor3A_622, %shift_right_logical3A_624 : vector<16xi32>
        %swap3A_626 = arith.index_cast %scan3A_526 : i32 to index
        %swap3A_627 = arith.constant 48 : index
        %swap3A_628 = tpu.vector_load %arg4[%swap3A_626, %swap3A_627] {strides = array<i32>} : memref<16x128xi32, #tpu.memory_space<vmem>>, vector<16xi32>,
        tpu.vector_store %arg4[%swap3A_626, %swap3A_627], %shift_right_logical3A_625 {strides = array<i32>} : memref<16x128xi32, #tpu.memory_space<vmem>>, vector<16xi32>,
        %mul3A_629 = arith.constant 2048 : i32
        %mul3A_630 = arith.muli %mul3A_276, %mul3A_629 : i32
        %mul3A_631 = arith.constant 128 : i32
        %mul3A_632 = arith.muli %scan3A_526, %mul3A_631 : i32
        %add3A_633 = arith.addi %mul3A_630, %mul3A_632 : i32
        %add3A_634 = arith.constant 48 : i32
        %add3A_635 = arith.addi %add3A_633, %add3A_634 : i32
        %swap3A_636 = arith.index_cast %add3A_635 : i32 to index
        %swap3A_637 = tpu.vector_load %arg6[%swap3A_636] {strides = array<i32>} : memref<65536xi32, #tpu.memory_space<vmem>>, vector<16xi32>,
        tpu.vector_store %arg6[%swap3A_636], %shift_right_logical3A_625 {strides = array<i32>} : memref<65536xi32, #tpu.memory_space<vmem>>, vector<16xi32>,
        %mul3A_638 = arith.constant 128 : i32
        %mul3A_639 = arith.muli %scan3A_526, %mul3A_638 : i32
        %add3A_640 = arith.constant 64 : i32
        %add3A_641 = arith.addi %mul3A_639, %add3A_640 : i32
        %get3A_642 = arith.index_cast %add3A_641 : i32 to index
        %get3A_643 = tpu.vector_load %arg7[%get3A_642] {strides = array<i32>} : memref<2048xf32, #tpu.memory_space<vmem>>, vector<16xf32>,
        %bitcast_convert_type3A_644 = tpu.bitcast %get3A_643 : vector<16xf32> -> vector<16xi32>
        %shift_right_arithmetic3A_645 = arith.constant 31 : i32
        %shift_right_arithmetic3A_646 = vector.broadcast %shift_right_arithmetic3A_645 : i32 to vector<16xi32>
        %shift_right_arithmetic3A_647 = arith.shrsi %bitcast_convert_type3A_644, %shift_right_arithmetic3A_646 : vector<16xi32>
        %or3A_648 = arith.constant -2147483648 : i32
        %or3A_649 = vector.broadcast %or3A_648 : i32 to vector<16xi32>
        %or3A_650 = arith.ori %shift_right_arithmetic3A_647, %or3A_649 : vector<16xi32>
        %xor3A_651 = arith.xori %bitcast_convert_type3A_644, %or3A_650 : vector<16xi32>
        %shift_right_logical3A_652 = arith.constant 16 : i32
        %shift_right_logical3A_653 = vector.broadcast %shift_right_logical3A_652 : i32 to vector<16xi32>
        %shift_right_logical3A_654 = arith.shrui %xor3A_651, %shift_right_logical3A_653 : vector<16xi32>
        %swap3A_655 = arith.index_cast %scan3A_526 : i32 to index
        %swap3A_656 = arith.constant 64 : index
        %swap3A_657 = tpu.vector_load %arg4[%swap3A_655, %swap3A_656] {strides = array<i32>} : memref<16x128xi32, #tpu.memory_space<vmem>>, vector<16xi32>,
        tpu.vector_store %arg4[%swap3A_655, %swap3A_656], %shift_right_logical3A_654 {strides = array<i32>} : memref<16x128xi32, #tpu.memory_space<vmem>>, vector<16xi32>,
        %mul3A_658 = arith.constant 2048 : i32
        %mul3A_659 = arith.muli %mul3A_276, %mul3A_658 : i32
        %mul3A_660 = arith.constant 128 : i32
        %mul3A_661 = arith.muli %scan3A_526, %mul3A_660 : i32
        %add3A_662 = arith.addi %mul3A_659, %mul3A_661 : i32
        %add3A_663 = arith.constant 64 : i32
        %add3A_664 = arith.addi %add3A_662, %add3A_663 : i32
        %swap3A_665 = arith.index_cast %add3A_664 : i32 to index
        %swap3A_666 = tpu.vector_load %arg6[%swap3A_665] {strides = array<i32>} : memref<65536xi32, #tpu.memory_space<vmem>>, vector<16xi32>,
        tpu.vector_store %arg6[%swap3A_665], %shift_right_logical3A_654 {strides = array<i32>} : memref<65536xi32, #tpu.memory_space<vmem>>, vector<16xi32>,
        %mul3A_667 = arith.constant 128 : i32
        %mul3A_668 = arith.muli %scan3A_526, %mul3A_667 : i32
        %add3A_669 = arith.constant 80 : i32
        %add3A_670 = arith.addi %mul3A_668, %add3A_669 : i32
        %get3A_671 = arith.index_cast %add3A_670 : i32 to index
        %get3A_672 = tpu.vector_load %arg7[%get3A_671] {strides = array<i32>} : memref<2048xf32, #tpu.memory_space<vmem>>, vector<16xf32>,
        %bitcast_convert_type3A_673 = tpu.bitcast %get3A_672 : vector<16xf32> -> vector<16xi32>
        %shift_right_arithmetic3A_674 = arith.constant 31 : i32
        %shift_right_arithmetic3A_675 = vector.broadcast %shift_right_arithmetic3A_674 : i32 to vector<16xi32>
        %shift_right_arithmetic3A_676 = arith.shrsi %bitcast_convert_type3A_673, %shift_right_arithmetic3A_675 : vector<16xi32>
        %or3A_677 = arith.constant -2147483648 : i32
        %or3A_678 = vector.broadcast %or3A_677 : i32 to vector<16xi32>
        %or3A_679 = arith.ori %shift_right_arithmetic3A_676, %or3A_678 : vector<16xi32>
        %xor3A_680 = arith.xori %bitcast_convert_type3A_673, %or3A_679 : vector<16xi32>
        %shift_right_logical3A_681 = arith.constant 16 : i32
        %shift_right_logical3A_682 = vector.broadcast %shift_right_logical3A_681 : i32 to vector<16xi32>
        %shift_right_logical3A_683 = arith.shrui %xor3A_680, %shift_right_logical3A_682 : vector<16xi32>
        %swap3A_684 = arith.index_cast %scan3A_526 : i32 to index
        %swap3A_685 = arith.constant 80 : index
        %swap3A_686 = tpu.vector_load %arg4[%swap3A_684, %swap3A_685] {strides = array<i32>} : memref<16x128xi32, #tpu.memory_space<vmem>>, vector<16xi32>,
        tpu.vector_store %arg4[%swap3A_684, %swap3A_685], %shift_right_logical3A_683 {strides = array<i32>} : memref<16x128xi32, #tpu.memory_space<vmem>>, vector<16xi32>,
        %mul3A_687 = arith.constant 2048 : i32
        %mul3A_688 = arith.muli %mul3A_276, %mul3A_687 : i32
        %mul3A_689 = arith.constant 128 : i32
        %mul3A_690 = arith.muli %scan3A_526, %mul3A_689 : i32
        %add3A_691 = arith.addi %mul3A_688, %mul3A_690 : i32
        %add3A_692 = arith.constant 80 : i32
        %add3A_693 = arith.addi %add3A_691, %add3A_692 : i32
        %swap3A_694 = arith.index_cast %add3A_693 : i32 to index
        %swap3A_695 = tpu.vector_load %arg6[%swap3A_694] {strides = array<i32>} : memref<65536xi32, #tpu.memory_space<vmem>>, vector<16xi32>,
        tpu.vector_store %arg6[%swap3A_694], %shift_right_logical3A_683 {strides = array<i32>} : memref<65536xi32, #tpu.memory_space<vmem>>, vector<16xi32>,
        %mul3A_696 = arith.constant 128 : i32
        %mul3A_697 = arith.muli %scan3A_526, %mul3A_696 : i32
        %add3A_698 = arith.constant 96 : i32
        %add3A_699 = arith.addi %mul3A_697, %add3A_698 : i32
        %get3A_700 = arith.index_cast %add3A_699 : i32 to index
        %get3A_701 = tpu.vector_load %arg7[%get3A_700] {strides = array<i32>} : memref<2048xf32, #tpu.memory_space<vmem>>, vector<16xf32>,
        %bitcast_convert_type3A_702 = tpu.bitcast %get3A_701 : vector<16xf32> -> vector<16xi32>
        %shift_right_arithmetic3A_703 = arith.constant 31 : i32
        %shift_right_arithmetic3A_704 = vector.broadcast %shift_right_arithmetic3A_703 : i32 to vector<16xi32>
        %shift_right_arithmetic3A_705 = arith.shrsi %bitcast_convert_type3A_702, %shift_right_arithmetic3A_704 : vector<16xi32>
        %or3A_706 = arith.constant -2147483648 : i32
        %or3A_707 = vector.broadcast %or3A_706 : i32 to vector<16xi32>
        %or3A_708 = arith.ori %shift_right_arithmetic3A_705, %or3A_707 : vector<16xi32>
        %xor3A_709 = arith.xori %bitcast_convert_type3A_702, %or3A_708 : vector<16xi32>
        %shift_right_logical3A_710 = arith.constant 16 : i32
        %shift_right_logical3A_711 = vector.broadcast %shift_right_logical3A_710 : i32 to vector<16xi32>
        %shift_right_logical3A_712 = arith.shrui %xor3A_709, %shift_right_logical3A_711 : vector<16xi32>
        %swap3A_713 = arith.index_cast %scan3A_526 : i32 to index
        %swap3A_714 = arith.constant 96 : index
        %swap3A_715 = tpu.vector_load %arg4[%swap3A_713, %swap3A_714] {strides = array<i32>} : memref<16x128xi32, #tpu.memory_space<vmem>>, vector<16xi32>,
        tpu.vector_store %arg4[%swap3A_713, %swap3A_714], %shift_right_logical3A_712 {strides = array<i32>} : memref<16x128xi32, #tpu.memory_space<vmem>>, vector<16xi32>,
        %mul3A_716 = arith.constant 2048 : i32
        %mul3A_717 = arith.muli %mul3A_276, %mul3A_716 : i32
        %mul3A_718 = arith.constant 128 : i32
        %mul3A_719 = arith.muli %scan3A_526, %mul3A_718 : i32
        %add3A_720 = arith.addi %mul3A_717, %mul3A_719 : i32
        %add3A_721 = arith.constant 96 : i32
        %add3A_722 = arith.addi %add3A_720, %add3A_721 : i32
        %swap3A_723 = arith.index_cast %add3A_722 : i32 to index
        %swap3A_724 = tpu.vector_load %arg6[%swap3A_723] {strides = array<i32>} : memref<65536xi32, #tpu.memory_space<vmem>>, vector<16xi32>,
        tpu.vector_store %arg6[%swap3A_723], %shift_right_logical3A_712 {strides = array<i32>} : memref<65536xi32, #tpu.memory_space<vmem>>, vector<16xi32>,
        %mul3A_725 = arith.constant 128 : i32
        %mul3A_726 = arith.muli %scan3A_526, %mul3A_725 : i32
        %add3A_727 = arith.constant 112 : i32
        %add3A_728 = arith.addi %mul3A_726, %add3A_727 : i32
        %get3A_729 = arith.index_cast %add3A_728 : i32 to index
        %get3A_730 = tpu.vector_load %arg7[%get3A_729] {strides = array<i32>} : memref<2048xf32, #tpu.memory_space<vmem>>, vector<16xf32>,
        %bitcast_convert_type3A_731 = tpu.bitcast %get3A_730 : vector<16xf32> -> vector<16xi32>
        %shift_right_arithmetic3A_732 = arith.constant 31 : i32
        %shift_right_arithmetic3A_733 = vector.broadcast %shift_right_arithmetic3A_732 : i32 to vector<16xi32>
        %shift_right_arithmetic3A_734 = arith.shrsi %bitcast_convert_type3A_731, %shift_right_arithmetic3A_733 : vector<16xi32>
        %or3A_735 = arith.constant -2147483648 : i32
        %or3A_736 = vector.broadcast %or3A_735 : i32 to vector<16xi32>
        %or3A_737 = arith.ori %shift_right_arithmetic3A_734, %or3A_736 : vector<16xi32>
        %xor3A_738 = arith.xori %bitcast_convert_type3A_731, %or3A_737 : vector<16xi32>
        %shift_right_logical3A_739 = arith.constant 16 : i32
        %shift_right_logical3A_740 = vector.broadcast %shift_right_logical3A_739 : i32 to vector<16xi32>
        %shift_right_logical3A_741 = arith.shrui %xor3A_738, %shift_right_logical3A_740 : vector<16xi32>
        %swap3A_742 = arith.index_cast %scan3A_526 : i32 to index
        %swap3A_743 = arith.constant 112 : index
        %swap3A_744 = tpu.vector_load %arg4[%swap3A_742, %swap3A_743] {strides = array<i32>} : memref<16x128xi32, #tpu.memory_space<vmem>>, vector<16xi32>,
        tpu.vector_store %arg4[%swap3A_742, %swap3A_743], %shift_right_logical3A_741 {strides = array<i32>} : memref<16x128xi32, #tpu.memory_space<vmem>>, vector<16xi32>,
        %mul3A_745 = arith.constant 2048 : i32
        %mul3A_746 = arith.muli %mul3A_276, %mul3A_745 : i32
        %mul3A_747 = arith.constant 128 : i32
        %mul3A_748 = arith.muli %scan3A_526, %mul3A_747 : i32
        %add3A_749 = arith.addi %mul3A_746, %mul3A_748 : i32
        %add3A_750 = arith.constant 112 : i32
        %add3A_751 = arith.addi %add3A_749, %add3A_750 : i32
        %swap3A_752 = arith.index_cast %add3A_751 : i32 to index
        %swap3A_753 = tpu.vector_load %arg6[%swap3A_752] {strides = array<i32>} : memref<65536xi32, #tpu.memory_space<vmem>>, vector<16xi32>,
        tpu.vector_store %arg6[%swap3A_752], %shift_right_logical3A_741 {strides = array<i32>} : memref<65536xi32, #tpu.memory_space<vmem>>, vector<16xi32>,
      }
      %scan3A_298 = arith.constant 16 : i32
      %ne3A = arith.constant 0 : i32
      %ne3A_299 = arith.cmpi ne, %scan3A_274, %ne3A : i32
      %convert_element_type3A = arith.extui %ne3A_299 : i1 to i32
      %cond3A = arith.constant 0 : i32
      %cond3A_300 = arith.cmpi ne, %convert_element_type3A, %cond3A : i32
      scf.if %cond3A_300 {
        %dma_wait3A_526 = arith.constant 0 : i32
        %dma_wait3A_527 = tpu.memref_slice %arg2[%arg0, %dma_wait3A_526] : memref<2x1048576xf32, #tpu.memory_space<hbm>> -> memref<1x2048xf32, #tpu.memory_space<hbm>>
        %dma_wait3A_528 = tpu.memref_squeeze %dma_wait3A_527 : memref<1x2048xf32, #tpu.memory_space<hbm>> -> memref<2048xf32, #tpu.memory_space<hbm>>
        %dma_wait3A_529 = arith.constant 0 : i32
        %dma_wait3A_530 = tpu.memref_slice %arg2[%arg0, %dma_wait3A_529] : memref<2x1048576xf32, #tpu.memory_space<hbm>> -> memref<1x2048xf32, #tpu.memory_space<hbm>>
        %dma_wait3A_531 = tpu.memref_squeeze %dma_wait3A_530 : memref<1x2048xf32, #tpu.memory_space<hbm>> -> memref<2048xf32, #tpu.memory_space<hbm>>
        tpu.wait_dma2 semaphore(%arg19 : memref<!tpu.dma_semaphore, #tpu.memory_space<semaphore_mem>>) src(%dma_wait3A_531 : memref<2048xf32, #tpu.memory_space<hbm>>) dst(%arg9 : memref<2048xf32, #tpu.memory_space<vmem>>)
      } else {
      }
      %dma_start3A_301 = arith.constant 0 : i32
      %dma_start3A_302 = arith.constant 0 : i32
      %dma_start3A_303 = tpu.memref_slice %arg4[%dma_start3A_301, %dma_start3A_302] : memref<16x128xi32, #tpu.memory_space<vmem>> -> memref<1x128xi32, #tpu.memory_space<vmem>>
      %dma_start3A_304 = tpu.memref_squeeze %dma_start3A_303 : memref<1x128xi32, #tpu.memory_space<vmem>> -> memref<128xi32, #tpu.memory_space<vmem>>
      %dma_start3A_305 = arith.constant 0 : i32
      %dma_start3A_306 = tpu.memref_slice %arg17[%dma_start3A_305] : memref<65536xf32, #tpu.memory_space<vmem_shared>> -> memref<65536xf32, #tpu.memory_space<vmem_shared>>
      tpu.enqueue_indirect_dma source(%arg14 : memref<128xf32, #tpu.memory_space<vmem>>) target(%dma_start3A_306 : memref<65536xf32, #tpu.memory_space<vmem_shared>>) offsets(%dma_start3A_304 : memref<128xi32, #tpu.memory_space<vmem>>) semaphore(%arg19 : memref<!tpu.dma_semaphore, #tpu.memory_space<semaphore_mem>>) {add = true}
      %dma_start3A_307 = arith.constant 1 : i32
      %dma_start3A_308 = arith.constant 0 : i32
      %dma_start3A_309 = tpu.memref_slice %arg4[%dma_start3A_307, %dma_start3A_308] : memref<16x128xi32, #tpu.memory_space<vmem>> -> memref<1x128xi32, #tpu.memory_space<vmem>>
      %dma_start3A_310 = tpu.memref_squeeze %dma_start3A_309 : memref<1x128xi32, #tpu.memory_space<vmem>> -> memref<128xi32, #tpu.memory_space<vmem>>
      %dma_start3A_311 = arith.constant 0 : i32
      %dma_start3A_312 = tpu.memref_slice %arg17[%dma_start3A_311] : memref<65536xf32, #tpu.memory_space<vmem_shared>> -> memref<65536xf32, #tpu.memory_space<vmem_shared>>
      tpu.enqueue_indirect_dma source(%arg14 : memref<128xf32, #tpu.memory_space<vmem>>) target(%dma_start3A_312 : memref<65536xf32, #tpu.memory_space<vmem_shared>>) offsets(%dma_start3A_310 : memref<128xi32, #tpu.memory_space<vmem>>) semaphore(%arg19 : memref<!tpu.dma_semaphore, #tpu.memory_space<semaphore_mem>>) {add = true}
      %dma_start3A_313 = arith.constant 2 : i32
      %dma_start3A_314 = arith.constant 0 : i32
      %dma_start3A_315 = tpu.memref_slice %arg4[%dma_start3A_313, %dma_start3A_314] : memref<16x128xi32, #tpu.memory_space<vmem>> -> memref<1x128xi32, #tpu.memory_space<vmem>>
      %dma_start3A_316 = tpu.memref_squeeze %dma_start3A_315 : memref<1x128xi32, #tpu.memory_space<vmem>> -> memref<128xi32, #tpu.memory_space<vmem>>
      %dma_start3A_317 = arith.constant 0 : i32
      %dma_start3A_318 = tpu.memref_slice %arg17[%dma_start3A_317] : memref<65536xf32, #tpu.memory_space<vmem_shared>> -> memref<65536xf32, #tpu.memory_space<vmem_shared>>
      tpu.enqueue_indirect_dma source(%arg14 : memref<128xf32, #tpu.memory_space<vmem>>) target(%dma_start3A_318 : memref<65536xf32, #tpu.memory_space<vmem_shared>>) offsets(%dma_start3A_316 : memref<128xi32, #tpu.memory_space<vmem>>) semaphore(%arg19 : memref<!tpu.dma_semaphore, #tpu.memory_space<semaphore_mem>>) {add = true}
      %dma_start3A_319 = arith.constant 3 : i32
      %dma_start3A_320 = arith.constant 0 : i32
      %dma_start3A_321 = tpu.memref_slice %arg4[%dma_start3A_319, %dma_start3A_320] : memref<16x128xi32, #tpu.memory_space<vmem>> -> memref<1x128xi32, #tpu.memory_space<vmem>>
      %dma_start3A_322 = tpu.memref_squeeze %dma_start3A_321 : memref<1x128xi32, #tpu.memory_space<vmem>> -> memref<128xi32, #tpu.memory_space<vmem>>
      %dma_start3A_323 = arith.constant 0 : i32
      %dma_start3A_324 = tpu.memref_slice %arg17[%dma_start3A_323] : memref<65536xf32, #tpu.memory_space<vmem_shared>> -> memref<65536xf32, #tpu.memory_space<vmem_shared>>
      tpu.enqueue_indirect_dma source(%arg14 : memref<128xf32, #tpu.memory_space<vmem>>) target(%dma_start3A_324 : memref<65536xf32, #tpu.memory_space<vmem_shared>>) offsets(%dma_start3A_322 : memref<128xi32, #tpu.memory_space<vmem>>) semaphore(%arg19 : memref<!tpu.dma_semaphore, #tpu.memory_space<semaphore_mem>>) {add = true}
      %dma_start3A_325 = arith.constant 4 : i32
      %dma_start3A_326 = arith.constant 0 : i32
      %dma_start3A_327 = tpu.memref_slice %arg4[%dma_start3A_325, %dma_start3A_326] : memref<16x128xi32, #tpu.memory_space<vmem>> -> memref<1x128xi32, #tpu.memory_space<vmem>>
      %dma_start3A_328 = tpu.memref_squeeze %dma_start3A_327 : memref<1x128xi32, #tpu.memory_space<vmem>> -> memref<128xi32, #tpu.memory_space<vmem>>
      %dma_start3A_329 = arith.constant 0 : i32
      %dma_start3A_330 = tpu.memref_slice %arg17[%dma_start3A_329] : memref<65536xf32, #tpu.memory_space<vmem_shared>> -> memref<65536xf32, #tpu.memory_space<vmem_shared>>
      tpu.enqueue_indirect_dma source(%arg14 : memref<128xf32, #tpu.memory_space<vmem>>) target(%dma_start3A_330 : memref<65536xf32, #tpu.memory_space<vmem_shared>>) offsets(%dma_start3A_328 : memref<128xi32, #tpu.memory_space<vmem>>) semaphore(%arg19 : memref<!tpu.dma_semaphore, #tpu.memory_space<semaphore_mem>>) {add = true}
      %dma_start3A_331 = arith.constant 5 : i32
      %dma_start3A_332 = arith.constant 0 : i32
      %dma_start3A_333 = tpu.memref_slice %arg4[%dma_start3A_331, %dma_start3A_332] : memref<16x128xi32, #tpu.memory_space<vmem>> -> memref<1x128xi32, #tpu.memory_space<vmem>>
      %dma_start3A_334 = tpu.memref_squeeze %dma_start3A_333 : memref<1x128xi32, #tpu.memory_space<vmem>> -> memref<128xi32, #tpu.memory_space<vmem>>
      %dma_start3A_335 = arith.constant 0 : i32
      %dma_start3A_336 = tpu.memref_slice %arg17[%dma_start3A_335] : memref<65536xf32, #tpu.memory_space<vmem_shared>> -> memref<65536xf32, #tpu.memory_space<vmem_shared>>
      tpu.enqueue_indirect_dma source(%arg14 : memref<128xf32, #tpu.memory_space<vmem>>) target(%dma_start3A_336 : memref<65536xf32, #tpu.memory_space<vmem_shared>>) offsets(%dma_start3A_334 : memref<128xi32, #tpu.memory_space<vmem>>) semaphore(%arg19 : memref<!tpu.dma_semaphore, #tpu.memory_space<semaphore_mem>>) {add = true}
      %dma_start3A_337 = arith.constant 6 : i32
      %dma_start3A_338 = arith.constant 0 : i32
      %dma_start3A_339 = tpu.memref_slice %arg4[%dma_start3A_337, %dma_start3A_338] : memref<16x128xi32, #tpu.memory_space<vmem>> -> memref<1x128xi32, #tpu.memory_space<vmem>>
      %dma_start3A_340 = tpu.memref_squeeze %dma_start3A_339 : memref<1x128xi32, #tpu.memory_space<vmem>> -> memref<128xi32, #tpu.memory_space<vmem>>
      %dma_start3A_341 = arith.constant 0 : i32
      %dma_start3A_342 = tpu.memref_slice %arg17[%dma_start3A_341] : memref<65536xf32, #tpu.memory_space<vmem_shared>> -> memref<65536xf32, #tpu.memory_space<vmem_shared>>
      tpu.enqueue_indirect_dma source(%arg14 : memref<128xf32, #tpu.memory_space<vmem>>) target(%dma_start3A_342 : memref<65536xf32, #tpu.memory_space<vmem_shared>>) offsets(%dma_start3A_340 : memref<128xi32, #tpu.memory_space<vmem>>) semaphore(%arg19 : memref<!tpu.dma_semaphore, #tpu.memory_space<semaphore_mem>>) {add = true}
      %dma_start3A_343 = arith.constant 7 : i32
      %dma_start3A_344 = arith.constant 0 : i32
      %dma_start3A_345 = tpu.memref_slice %arg4[%dma_start3A_343, %dma_start3A_344] : memref<16x128xi32, #tpu.memory_space<vmem>> -> memref<1x128xi32, #tpu.memory_space<vmem>>
      %dma_start3A_346 = tpu.memref_squeeze %dma_start3A_345 : memref<1x128xi32, #tpu.memory_space<vmem>> -> memref<128xi32, #tpu.memory_space<vmem>>
      %dma_start3A_347 = arith.constant 0 : i32
      %dma_start3A_348 = tpu.memref_slice %arg17[%dma_start3A_347] : memref<65536xf32, #tpu.memory_space<vmem_shared>> -> memref<65536xf32, #tpu.memory_space<vmem_shared>>
      tpu.enqueue_indirect_dma source(%arg14 : memref<128xf32, #tpu.memory_space<vmem>>) target(%dma_start3A_348 : memref<65536xf32, #tpu.memory_space<vmem_shared>>) offsets(%dma_start3A_346 : memref<128xi32, #tpu.memory_space<vmem>>) semaphore(%arg19 : memref<!tpu.dma_semaphore, #tpu.memory_space<semaphore_mem>>) {add = true}
      %dma_start3A_349 = arith.constant 8 : i32
      %dma_start3A_350 = arith.constant 0 : i32
      %dma_start3A_351 = tpu.memref_slice %arg4[%dma_start3A_349, %dma_start3A_350] : memref<16x128xi32, #tpu.memory_space<vmem>> -> memref<1x128xi32, #tpu.memory_space<vmem>>
      %dma_start3A_352 = tpu.memref_squeeze %dma_start3A_351 : memref<1x128xi32, #tpu.memory_space<vmem>> -> memref<128xi32, #tpu.memory_space<vmem>>
      %dma_start3A_353 = arith.constant 0 : i32
      %dma_start3A_354 = tpu.memref_slice %arg17[%dma_start3A_353] : memref<65536xf32, #tpu.memory_space<vmem_shared>> -> memref<65536xf32, #tpu.memory_space<vmem_shared>>
      tpu.enqueue_indirect_dma source(%arg14 : memref<128xf32, #tpu.memory_space<vmem>>) target(%dma_start3A_354 : memref<65536xf32, #tpu.memory_space<vmem_shared>>) offsets(%dma_start3A_352 : memref<128xi32, #tpu.memory_space<vmem>>) semaphore(%arg19 : memref<!tpu.dma_semaphore, #tpu.memory_space<semaphore_mem>>) {add = true}
      %dma_start3A_355 = arith.constant 9 : i32
      %dma_start3A_356 = arith.constant 0 : i32
      %dma_start3A_357 = tpu.memref_slice %arg4[%dma_start3A_355, %dma_start3A_356] : memref<16x128xi32, #tpu.memory_space<vmem>> -> memref<1x128xi32, #tpu.memory_space<vmem>>
      %dma_start3A_358 = tpu.memref_squeeze %dma_start3A_357 : memref<1x128xi32, #tpu.memory_space<vmem>> -> memref<128xi32, #tpu.memory_space<vmem>>
      %dma_start3A_359 = arith.constant 0 : i32
      %dma_start3A_360 = tpu.memref_slice %arg17[%dma_start3A_359] : memref<65536xf32, #tpu.memory_space<vmem_shared>> -> memref<65536xf32, #tpu.memory_space<vmem_shared>>
      tpu.enqueue_indirect_dma source(%arg14 : memref<128xf32, #tpu.memory_space<vmem>>) target(%dma_start3A_360 : memref<65536xf32, #tpu.memory_space<vmem_shared>>) offsets(%dma_start3A_358 : memref<128xi32, #tpu.memory_space<vmem>>) semaphore(%arg19 : memref<!tpu.dma_semaphore, #tpu.memory_space<semaphore_mem>>) {add = true}
      %dma_start3A_361 = arith.constant 10 : i32
      %dma_start3A_362 = arith.constant 0 : i32
      %dma_start3A_363 = tpu.memref_slice %arg4[%dma_start3A_361, %dma_start3A_362] : memref<16x128xi32, #tpu.memory_space<vmem>> -> memref<1x128xi32, #tpu.memory_space<vmem>>
      %dma_start3A_364 = tpu.memref_squeeze %dma_start3A_363 : memref<1x128xi32, #tpu.memory_space<vmem>> -> memref<128xi32, #tpu.memory_space<vmem>>
      %dma_start3A_365 = arith.constant 0 : i32
      %dma_start3A_366 = tpu.memref_slice %arg17[%dma_start3A_365] : memref<65536xf32, #tpu.memory_space<vmem_shared>> -> memref<65536xf32, #tpu.memory_space<vmem_shared>>
      tpu.enqueue_indirect_dma source(%arg14 : memref<128xf32, #tpu.memory_space<vmem>>) target(%dma_start3A_366 : memref<65536xf32, #tpu.memory_space<vmem_shared>>) offsets(%dma_start3A_364 : memref<128xi32, #tpu.memory_space<vmem>>) semaphore(%arg19 : memref<!tpu.dma_semaphore, #tpu.memory_space<semaphore_mem>>) {add = true}
      %dma_start3A_367 = arith.constant 11 : i32
      %dma_start3A_368 = arith.constant 0 : i32
      %dma_start3A_369 = tpu.memref_slice %arg4[%dma_start3A_367, %dma_start3A_368] : memref<16x128xi32, #tpu.memory_space<vmem>> -> memref<1x128xi32, #tpu.memory_space<vmem>>
      %dma_start3A_370 = tpu.memref_squeeze %dma_start3A_369 : memref<1x128xi32, #tpu.memory_space<vmem>> -> memref<128xi32, #tpu.memory_space<vmem>>
      %dma_start3A_371 = arith.constant 0 : i32
      %dma_start3A_372 = tpu.memref_slice %arg17[%dma_start3A_371] : memref<65536xf32, #tpu.memory_space<vmem_shared>> -> memref<65536xf32, #tpu.memory_space<vmem_shared>>
      tpu.enqueue_indirect_dma source(%arg14 : memref<128xf32, #tpu.memory_space<vmem>>) target(%dma_start3A_372 : memref<65536xf32, #tpu.memory_space<vmem_shared>>) offsets(%dma_start3A_370 : memref<128xi32, #tpu.memory_space<vmem>>) semaphore(%arg19 : memref<!tpu.dma_semaphore, #tpu.memory_space<semaphore_mem>>) {add = true}
      %dma_start3A_373 = arith.constant 12 : i32
      %dma_start3A_374 = arith.constant 0 : i32
      %dma_start3A_375 = tpu.memref_slice %arg4[%dma_start3A_373, %dma_start3A_374] : memref<16x128xi32, #tpu.memory_space<vmem>> -> memref<1x128xi32, #tpu.memory_space<vmem>>
      %dma_start3A_376 = tpu.memref_squeeze %dma_start3A_375 : memref<1x128xi32, #tpu.memory_space<vmem>> -> memref<128xi32, #tpu.memory_space<vmem>>
      %dma_start3A_377 = arith.constant 0 : i32
      %dma_start3A_378 = tpu.memref_slice %arg17[%dma_start3A_377] : memref<65536xf32, #tpu.memory_space<vmem_shared>> -> memref<65536xf32, #tpu.memory_space<vmem_shared>>
      tpu.enqueue_indirect_dma source(%arg14 : memref<128xf32, #tpu.memory_space<vmem>>) target(%dma_start3A_378 : memref<65536xf32, #tpu.memory_space<vmem_shared>>) offsets(%dma_start3A_376 : memref<128xi32, #tpu.memory_space<vmem>>) semaphore(%arg19 : memref<!tpu.dma_semaphore, #tpu.memory_space<semaphore_mem>>) {add = true}
      %dma_start3A_379 = arith.constant 13 : i32
      %dma_start3A_380 = arith.constant 0 : i32
      %dma_start3A_381 = tpu.memref_slice %arg4[%dma_start3A_379, %dma_start3A_380] : memref<16x128xi32, #tpu.memory_space<vmem>> -> memref<1x128xi32, #tpu.memory_space<vmem>>
      %dma_start3A_382 = tpu.memref_squeeze %dma_start3A_381 : memref<1x128xi32, #tpu.memory_space<vmem>> -> memref<128xi32, #tpu.memory_space<vmem>>
      %dma_start3A_383 = arith.constant 0 : i32
      %dma_start3A_384 = tpu.memref_slice %arg17[%dma_start3A_383] : memref<65536xf32, #tpu.memory_space<vmem_shared>> -> memref<65536xf32, #tpu.memory_space<vmem_shared>>
      tpu.enqueue_indirect_dma source(%arg14 : memref<128xf32, #tpu.memory_space<vmem>>) target(%dma_start3A_384 : memref<65536xf32, #tpu.memory_space<vmem_shared>>) offsets(%dma_start3A_382 : memref<128xi32, #tpu.memory_space<vmem>>) semaphore(%arg19 : memref<!tpu.dma_semaphore, #tpu.memory_space<semaphore_mem>>) {add = true}
      %dma_start3A_385 = arith.constant 14 : i32
      %dma_start3A_386 = arith.constant 0 : i32
      %dma_start3A_387 = tpu.memref_slice %arg4[%dma_start3A_385, %dma_start3A_386] : memref<16x128xi32, #tpu.memory_space<vmem>> -> memref<1x128xi32, #tpu.memory_space<vmem>>
      %dma_start3A_388 = tpu.memref_squeeze %dma_start3A_387 : memref<1x128xi32, #tpu.memory_space<vmem>> -> memref<128xi32, #tpu.memory_space<vmem>>
      %dma_start3A_389 = arith.constant 0 : i32
      %dma_start3A_390 = tpu.memref_slice %arg17[%dma_start3A_389] : memref<65536xf32, #tpu.memory_space<vmem_shared>> -> memref<65536xf32, #tpu.memory_space<vmem_shared>>
      tpu.enqueue_indirect_dma source(%arg14 : memref<128xf32, #tpu.memory_space<vmem>>) target(%dma_start3A_390 : memref<65536xf32, #tpu.memory_space<vmem_shared>>) offsets(%dma_start3A_388 : memref<128xi32, #tpu.memory_space<vmem>>) semaphore(%arg19 : memref<!tpu.dma_semaphore, #tpu.memory_space<semaphore_mem>>) {add = true}
      %dma_start3A_391 = arith.constant 15 : i32
      %dma_start3A_392 = arith.constant 0 : i32
      %dma_start3A_393 = tpu.memref_slice %arg4[%dma_start3A_391, %dma_start3A_392] : memref<16x128xi32, #tpu.memory_space<vmem>> -> memref<1x128xi32, #tpu.memory_space<vmem>>
      %dma_start3A_394 = tpu.memref_squeeze %dma_start3A_393 : memref<1x128xi32, #tpu.memory_space<vmem>> -> memref<128xi32, #tpu.memory_space<vmem>>
      %dma_start3A_395 = arith.constant 0 : i32
      %dma_start3A_396 = tpu.memref_slice %arg17[%dma_start3A_395] : memref<65536xf32, #tpu.memory_space<vmem_shared>> -> memref<65536xf32, #tpu.memory_space<vmem_shared>>
      tpu.enqueue_indirect_dma source(%arg14 : memref<128xf32, #tpu.memory_space<vmem>>) target(%dma_start3A_396 : memref<65536xf32, #tpu.memory_space<vmem_shared>>) offsets(%dma_start3A_394 : memref<128xi32, #tpu.memory_space<vmem>>) semaphore(%arg19 : memref<!tpu.dma_semaphore, #tpu.memory_space<semaphore_mem>>) {add = true}
      %add3A_397 = arith.constant 1 : i32
      %add3A_398 = arith.addi %mul3A_276, %add3A_397 : i32
      %mul3A_399 = arith.constant 2048 : i32
      %mul3A_400 = arith.muli %add3A_398, %mul3A_399 : i32
      %add3A_401 = arith.addi %mul3A_0, %mul3A_400 : i32
      %dma_wait3A_402 = tpu.memref_slice %arg2[%arg0, %add3A_401] : memref<2x1048576xf32, #tpu.memory_space<hbm>> -> memref<1x2048xf32, #tpu.memory_space<hbm>>
      %dma_wait3A_403 = tpu.memref_squeeze %dma_wait3A_402 : memref<1x2048xf32, #tpu.memory_space<hbm>> -> memref<2048xf32, #tpu.memory_space<hbm>>
      %dma_wait3A_404 = tpu.memref_slice %arg2[%arg0, %add3A_401] : memref<2x1048576xf32, #tpu.memory_space<hbm>> -> memref<1x2048xf32, #tpu.memory_space<hbm>>
      %dma_wait3A_405 = tpu.memref_squeeze %dma_wait3A_404 : memref<1x2048xf32, #tpu.memory_space<hbm>> -> memref<2048xf32, #tpu.memory_space<hbm>>
      tpu.wait_dma2 semaphore(%arg21 : memref<!tpu.dma_semaphore, #tpu.memory_space<semaphore_mem>>) src(%dma_wait3A_405 : memref<2048xf32, #tpu.memory_space<hbm>>) dst(%arg8 : memref<2048xf32, #tpu.memory_space<vmem>>)
      %add3A_406 = arith.constant 2 : i32
      %add3A_407 = arith.addi %mul3A_276, %add3A_406 : i32
      %min3A = arith.constant 31 : i32
      %min3A_408 = arith.minsi %add3A_407, %min3A : i32
      %mul3A_409 = arith.constant 2048 : i32
      %mul3A_410 = arith.muli %min3A_408, %mul3A_409 : i32
      %add3A_411 = arith.addi %mul3A_0, %mul3A_410 : i32
      %dma_start3A_412 = tpu.memref_slice %arg2[%arg0, %add3A_411] : memref<2x1048576xf32, #tpu.memory_space<hbm>> -> memref<1x2048xf32, #tpu.memory_space<hbm>>
      %dma_start3A_413 = tpu.memref_squeeze %dma_start3A_412 : memref<1x2048xf32, #tpu.memory_space<hbm>> -> memref<2048xf32, #tpu.memory_space<hbm>>
      %dma_start3A_414 = tpu.memref_slice %arg2[%arg0, %add3A_411] : memref<2x1048576xf32, #tpu.memory_space<hbm>> -> memref<1x2048xf32, #tpu.memory_space<hbm>>
      %dma_start3A_415 = tpu.memref_squeeze %dma_start3A_414 : memref<1x2048xf32, #tpu.memory_space<hbm>> -> memref<2048xf32, #tpu.memory_space<hbm>>
      tpu.enqueue_dma source(%dma_start3A_415 : memref<2048xf32, #tpu.memory_space<hbm>>) target(%arg7 : memref<2048xf32, #tpu.memory_space<vmem>>) target_semaphore(%arg20 : memref<!tpu.dma_semaphore, #tpu.memory_space<semaphore_mem>>)
      %add3A_416 = arith.constant 1 : i32
      %add3A_417 = arith.addi %mul3A_276, %add3A_416 : i32
      %scan3A_418 = arith.constant 0 : i32
      %scan3A_419 = arith.constant 0 : i32
      %scan3A_420 = arith.constant 16 : i32
      %scan3A_421 = arith.addi %scan3A_419, %scan3A_420 : i32
      %scan3A_422 = arith.constant 1 : i32
      scf.for %scan3A_526 = %scan3A_419 to %scan3A_421 step %scan3A_422  : i32 {
        %mul3A_527 = arith.constant 128 : i32
        %mul3A_528 = arith.muli %scan3A_526, %mul3A_527 : i32
        %add3A_529 = arith.constant 0 : i32
        %add3A_530 = arith.addi %mul3A_528, %add3A_529 : i32
        %get3A_531 = arith.index_cast %add3A_530 : i32 to index
        %get3A_532 = tpu.vector_load %arg8[%get3A_531] {strides = array<i32>} : memref<2048xf32, #tpu.memory_space<vmem>>, vector<16xf32>,
        %bitcast_convert_type3A = tpu.bitcast %get3A_532 : vector<16xf32> -> vector<16xi32>
        %shift_right_arithmetic3A = arith.constant 31 : i32
        %shift_right_arithmetic3A_533 = vector.broadcast %shift_right_arithmetic3A : i32 to vector<16xi32>
        %shift_right_arithmetic3A_534 = arith.shrsi %bitcast_convert_type3A, %shift_right_arithmetic3A_533 : vector<16xi32>
        %or3A = arith.constant -2147483648 : i32
        %or3A_535 = vector.broadcast %or3A : i32 to vector<16xi32>
        %or3A_536 = arith.ori %shift_right_arithmetic3A_534, %or3A_535 : vector<16xi32>
        %xor3A = arith.xori %bitcast_convert_type3A, %or3A_536 : vector<16xi32>
        %shift_right_logical3A = arith.constant 16 : i32
        %shift_right_logical3A_537 = vector.broadcast %shift_right_logical3A : i32 to vector<16xi32>
        %shift_right_logical3A_538 = arith.shrui %xor3A, %shift_right_logical3A_537 : vector<16xi32>
        %swap3A_539 = arith.index_cast %scan3A_526 : i32 to index
        %swap3A_540 = arith.constant 0 : index
        %swap3A_541 = tpu.vector_load %arg5[%swap3A_539, %swap3A_540] {strides = array<i32>} : memref<16x128xi32, #tpu.memory_space<vmem>>, vector<16xi32>,
        tpu.vector_store %arg5[%swap3A_539, %swap3A_540], %shift_right_logical3A_538 {strides = array<i32>} : memref<16x128xi32, #tpu.memory_space<vmem>>, vector<16xi32>,
        %mul3A_542 = arith.constant 2048 : i32
        %mul3A_543 = arith.muli %add3A_417, %mul3A_542 : i32
        %mul3A_544 = arith.constant 128 : i32
        %mul3A_545 = arith.muli %scan3A_526, %mul3A_544 : i32
        %add3A_546 = arith.addi %mul3A_543, %mul3A_545 : i32
        %add3A_547 = arith.constant 0 : i32
        %add3A_548 = arith.addi %add3A_546, %add3A_547 : i32
        %swap3A_549 = arith.index_cast %add3A_548 : i32 to index
        %swap3A_550 = tpu.vector_load %arg6[%swap3A_549] {strides = array<i32>} : memref<65536xi32, #tpu.memory_space<vmem>>, vector<16xi32>,
        tpu.vector_store %arg6[%swap3A_549], %shift_right_logical3A_538 {strides = array<i32>} : memref<65536xi32, #tpu.memory_space<vmem>>, vector<16xi32>,
        %mul3A_551 = arith.constant 128 : i32
        %mul3A_552 = arith.muli %scan3A_526, %mul3A_551 : i32
        %add3A_553 = arith.constant 16 : i32
        %add3A_554 = arith.addi %mul3A_552, %add3A_553 : i32
        %get3A_555 = arith.index_cast %add3A_554 : i32 to index
        %get3A_556 = tpu.vector_load %arg8[%get3A_555] {strides = array<i32>} : memref<2048xf32, #tpu.memory_space<vmem>>, vector<16xf32>,
        %bitcast_convert_type3A_557 = tpu.bitcast %get3A_556 : vector<16xf32> -> vector<16xi32>
        %shift_right_arithmetic3A_558 = arith.constant 31 : i32
        %shift_right_arithmetic3A_559 = vector.broadcast %shift_right_arithmetic3A_558 : i32 to vector<16xi32>
        %shift_right_arithmetic3A_560 = arith.shrsi %bitcast_convert_type3A_557, %shift_right_arithmetic3A_559 : vector<16xi32>
        %or3A_561 = arith.constant -2147483648 : i32
        %or3A_562 = vector.broadcast %or3A_561 : i32 to vector<16xi32>
        %or3A_563 = arith.ori %shift_right_arithmetic3A_560, %or3A_562 : vector<16xi32>
        %xor3A_564 = arith.xori %bitcast_convert_type3A_557, %or3A_563 : vector<16xi32>
        %shift_right_logical3A_565 = arith.constant 16 : i32
        %shift_right_logical3A_566 = vector.broadcast %shift_right_logical3A_565 : i32 to vector<16xi32>
        %shift_right_logical3A_567 = arith.shrui %xor3A_564, %shift_right_logical3A_566 : vector<16xi32>
        %swap3A_568 = arith.index_cast %scan3A_526 : i32 to index
        %swap3A_569 = arith.constant 16 : index
        %swap3A_570 = tpu.vector_load %arg5[%swap3A_568, %swap3A_569] {strides = array<i32>} : memref<16x128xi32, #tpu.memory_space<vmem>>, vector<16xi32>,
        tpu.vector_store %arg5[%swap3A_568, %swap3A_569], %shift_right_logical3A_567 {strides = array<i32>} : memref<16x128xi32, #tpu.memory_space<vmem>>, vector<16xi32>,
        %mul3A_571 = arith.constant 2048 : i32
        %mul3A_572 = arith.muli %add3A_417, %mul3A_571 : i32
        %mul3A_573 = arith.constant 128 : i32
        %mul3A_574 = arith.muli %scan3A_526, %mul3A_573 : i32
        %add3A_575 = arith.addi %mul3A_572, %mul3A_574 : i32
        %add3A_576 = arith.constant 16 : i32
        %add3A_577 = arith.addi %add3A_575, %add3A_576 : i32
        %swap3A_578 = arith.index_cast %add3A_577 : i32 to index
        %swap3A_579 = tpu.vector_load %arg6[%swap3A_578] {strides = array<i32>} : memref<65536xi32, #tpu.memory_space<vmem>>, vector<16xi32>,
        tpu.vector_store %arg6[%swap3A_578], %shift_right_logical3A_567 {strides = array<i32>} : memref<65536xi32, #tpu.memory_space<vmem>>, vector<16xi32>,
        %mul3A_580 = arith.constant 128 : i32
        %mul3A_581 = arith.muli %scan3A_526, %mul3A_580 : i32
        %add3A_582 = arith.constant 32 : i32
        %add3A_583 = arith.addi %mul3A_581, %add3A_582 : i32
        %get3A_584 = arith.index_cast %add3A_583 : i32 to index
        %get3A_585 = tpu.vector_load %arg8[%get3A_584] {strides = array<i32>} : memref<2048xf32, #tpu.memory_space<vmem>>, vector<16xf32>,
        %bitcast_convert_type3A_586 = tpu.bitcast %get3A_585 : vector<16xf32> -> vector<16xi32>
        %shift_right_arithmetic3A_587 = arith.constant 31 : i32
        %shift_right_arithmetic3A_588 = vector.broadcast %shift_right_arithmetic3A_587 : i32 to vector<16xi32>
        %shift_right_arithmetic3A_589 = arith.shrsi %bitcast_convert_type3A_586, %shift_right_arithmetic3A_588 : vector<16xi32>
        %or3A_590 = arith.constant -2147483648 : i32
        %or3A_591 = vector.broadcast %or3A_590 : i32 to vector<16xi32>
        %or3A_592 = arith.ori %shift_right_arithmetic3A_589, %or3A_591 : vector<16xi32>
        %xor3A_593 = arith.xori %bitcast_convert_type3A_586, %or3A_592 : vector<16xi32>
        %shift_right_logical3A_594 = arith.constant 16 : i32
        %shift_right_logical3A_595 = vector.broadcast %shift_right_logical3A_594 : i32 to vector<16xi32>
        %shift_right_logical3A_596 = arith.shrui %xor3A_593, %shift_right_logical3A_595 : vector<16xi32>
        %swap3A_597 = arith.index_cast %scan3A_526 : i32 to index
        %swap3A_598 = arith.constant 32 : index
        %swap3A_599 = tpu.vector_load %arg5[%swap3A_597, %swap3A_598] {strides = array<i32>} : memref<16x128xi32, #tpu.memory_space<vmem>>, vector<16xi32>,
        tpu.vector_store %arg5[%swap3A_597, %swap3A_598], %shift_right_logical3A_596 {strides = array<i32>} : memref<16x128xi32, #tpu.memory_space<vmem>>, vector<16xi32>,
        %mul3A_600 = arith.constant 2048 : i32
        %mul3A_601 = arith.muli %add3A_417, %mul3A_600 : i32
        %mul3A_602 = arith.constant 128 : i32
        %mul3A_603 = arith.muli %scan3A_526, %mul3A_602 : i32
        %add3A_604 = arith.addi %mul3A_601, %mul3A_603 : i32
        %add3A_605 = arith.constant 32 : i32
        %add3A_606 = arith.addi %add3A_604, %add3A_605 : i32
        %swap3A_607 = arith.index_cast %add3A_606 : i32 to index
        %swap3A_608 = tpu.vector_load %arg6[%swap3A_607] {strides = array<i32>} : memref<65536xi32, #tpu.memory_space<vmem>>, vector<16xi32>,
        tpu.vector_store %arg6[%swap3A_607], %shift_right_logical3A_596 {strides = array<i32>} : memref<65536xi32, #tpu.memory_space<vmem>>, vector<16xi32>,
        %mul3A_609 = arith.constant 128 : i32
        %mul3A_610 = arith.muli %scan3A_526, %mul3A_609 : i32
        %add3A_611 = arith.constant 48 : i32
        %add3A_612 = arith.addi %mul3A_610, %add3A_611 : i32
        %get3A_613 = arith.index_cast %add3A_612 : i32 to index
        %get3A_614 = tpu.vector_load %arg8[%get3A_613] {strides = array<i32>} : memref<2048xf32, #tpu.memory_space<vmem>>, vector<16xf32>,
        %bitcast_convert_type3A_615 = tpu.bitcast %get3A_614 : vector<16xf32> -> vector<16xi32>
        %shift_right_arithmetic3A_616 = arith.constant 31 : i32
        %shift_right_arithmetic3A_617 = vector.broadcast %shift_right_arithmetic3A_616 : i32 to vector<16xi32>
        %shift_right_arithmetic3A_618 = arith.shrsi %bitcast_convert_type3A_615, %shift_right_arithmetic3A_617 : vector<16xi32>
        %or3A_619 = arith.constant -2147483648 : i32
        %or3A_620 = vector.broadcast %or3A_619 : i32 to vector<16xi32>
        %or3A_621 = arith.ori %shift_right_arithmetic3A_618, %or3A_620 : vector<16xi32>
        %xor3A_622 = arith.xori %bitcast_convert_type3A_615, %or3A_621 : vector<16xi32>
        %shift_right_logical3A_623 = arith.constant 16 : i32
        %shift_right_logical3A_624 = vector.broadcast %shift_right_logical3A_623 : i32 to vector<16xi32>
        %shift_right_logical3A_625 = arith.shrui %xor3A_622, %shift_right_logical3A_624 : vector<16xi32>
        %swap3A_626 = arith.index_cast %scan3A_526 : i32 to index
        %swap3A_627 = arith.constant 48 : index
        %swap3A_628 = tpu.vector_load %arg5[%swap3A_626, %swap3A_627] {strides = array<i32>} : memref<16x128xi32, #tpu.memory_space<vmem>>, vector<16xi32>,
        tpu.vector_store %arg5[%swap3A_626, %swap3A_627], %shift_right_logical3A_625 {strides = array<i32>} : memref<16x128xi32, #tpu.memory_space<vmem>>, vector<16xi32>,
        %mul3A_629 = arith.constant 2048 : i32
        %mul3A_630 = arith.muli %add3A_417, %mul3A_629 : i32
        %mul3A_631 = arith.constant 128 : i32
        %mul3A_632 = arith.muli %scan3A_526, %mul3A_631 : i32
        %add3A_633 = arith.addi %mul3A_630, %mul3A_632 : i32
        %add3A_634 = arith.constant 48 : i32
        %add3A_635 = arith.addi %add3A_633, %add3A_634 : i32
        %swap3A_636 = arith.index_cast %add3A_635 : i32 to index
        %swap3A_637 = tpu.vector_load %arg6[%swap3A_636] {strides = array<i32>} : memref<65536xi32, #tpu.memory_space<vmem>>, vector<16xi32>,
        tpu.vector_store %arg6[%swap3A_636], %shift_right_logical3A_625 {strides = array<i32>} : memref<65536xi32, #tpu.memory_space<vmem>>, vector<16xi32>,
        %mul3A_638 = arith.constant 128 : i32
        %mul3A_639 = arith.muli %scan3A_526, %mul3A_638 : i32
        %add3A_640 = arith.constant 64 : i32
        %add3A_641 = arith.addi %mul3A_639, %add3A_640 : i32
        %get3A_642 = arith.index_cast %add3A_641 : i32 to index
        %get3A_643 = tpu.vector_load %arg8[%get3A_642] {strides = array<i32>} : memref<2048xf32, #tpu.memory_space<vmem>>, vector<16xf32>,
        %bitcast_convert_type3A_644 = tpu.bitcast %get3A_643 : vector<16xf32> -> vector<16xi32>
        %shift_right_arithmetic3A_645 = arith.constant 31 : i32
        %shift_right_arithmetic3A_646 = vector.broadcast %shift_right_arithmetic3A_645 : i32 to vector<16xi32>
        %shift_right_arithmetic3A_647 = arith.shrsi %bitcast_convert_type3A_644, %shift_right_arithmetic3A_646 : vector<16xi32>
        %or3A_648 = arith.constant -2147483648 : i32
        %or3A_649 = vector.broadcast %or3A_648 : i32 to vector<16xi32>
        %or3A_650 = arith.ori %shift_right_arithmetic3A_647, %or3A_649 : vector<16xi32>
        %xor3A_651 = arith.xori %bitcast_convert_type3A_644, %or3A_650 : vector<16xi32>
        %shift_right_logical3A_652 = arith.constant 16 : i32
        %shift_right_logical3A_653 = vector.broadcast %shift_right_logical3A_652 : i32 to vector<16xi32>
        %shift_right_logical3A_654 = arith.shrui %xor3A_651, %shift_right_logical3A_653 : vector<16xi32>
        %swap3A_655 = arith.index_cast %scan3A_526 : i32 to index
        %swap3A_656 = arith.constant 64 : index
        %swap3A_657 = tpu.vector_load %arg5[%swap3A_655, %swap3A_656] {strides = array<i32>} : memref<16x128xi32, #tpu.memory_space<vmem>>, vector<16xi32>,
        tpu.vector_store %arg5[%swap3A_655, %swap3A_656], %shift_right_logical3A_654 {strides = array<i32>} : memref<16x128xi32, #tpu.memory_space<vmem>>, vector<16xi32>,
        %mul3A_658 = arith.constant 2048 : i32
        %mul3A_659 = arith.muli %add3A_417, %mul3A_658 : i32
        %mul3A_660 = arith.constant 128 : i32
        %mul3A_661 = arith.muli %scan3A_526, %mul3A_660 : i32
        %add3A_662 = arith.addi %mul3A_659, %mul3A_661 : i32
        %add3A_663 = arith.constant 64 : i32
        %add3A_664 = arith.addi %add3A_662, %add3A_663 : i32
        %swap3A_665 = arith.index_cast %add3A_664 : i32 to index
        %swap3A_666 = tpu.vector_load %arg6[%swap3A_665] {strides = array<i32>} : memref<65536xi32, #tpu.memory_space<vmem>>, vector<16xi32>,
        tpu.vector_store %arg6[%swap3A_665], %shift_right_logical3A_654 {strides = array<i32>} : memref<65536xi32, #tpu.memory_space<vmem>>, vector<16xi32>,
        %mul3A_667 = arith.constant 128 : i32
        %mul3A_668 = arith.muli %scan3A_526, %mul3A_667 : i32
        %add3A_669 = arith.constant 80 : i32
        %add3A_670 = arith.addi %mul3A_668, %add3A_669 : i32
        %get3A_671 = arith.index_cast %add3A_670 : i32 to index
        %get3A_672 = tpu.vector_load %arg8[%get3A_671] {strides = array<i32>} : memref<2048xf32, #tpu.memory_space<vmem>>, vector<16xf32>,
        %bitcast_convert_type3A_673 = tpu.bitcast %get3A_672 : vector<16xf32> -> vector<16xi32>
        %shift_right_arithmetic3A_674 = arith.constant 31 : i32
        %shift_right_arithmetic3A_675 = vector.broadcast %shift_right_arithmetic3A_674 : i32 to vector<16xi32>
        %shift_right_arithmetic3A_676 = arith.shrsi %bitcast_convert_type3A_673, %shift_right_arithmetic3A_675 : vector<16xi32>
        %or3A_677 = arith.constant -2147483648 : i32
        %or3A_678 = vector.broadcast %or3A_677 : i32 to vector<16xi32>
        %or3A_679 = arith.ori %shift_right_arithmetic3A_676, %or3A_678 : vector<16xi32>
        %xor3A_680 = arith.xori %bitcast_convert_type3A_673, %or3A_679 : vector<16xi32>
        %shift_right_logical3A_681 = arith.constant 16 : i32
        %shift_right_logical3A_682 = vector.broadcast %shift_right_logical3A_681 : i32 to vector<16xi32>
        %shift_right_logical3A_683 = arith.shrui %xor3A_680, %shift_right_logical3A_682 : vector<16xi32>
        %swap3A_684 = arith.index_cast %scan3A_526 : i32 to index
        %swap3A_685 = arith.constant 80 : index
        %swap3A_686 = tpu.vector_load %arg5[%swap3A_684, %swap3A_685] {strides = array<i32>} : memref<16x128xi32, #tpu.memory_space<vmem>>, vector<16xi32>,
        tpu.vector_store %arg5[%swap3A_684, %swap3A_685], %shift_right_logical3A_683 {strides = array<i32>} : memref<16x128xi32, #tpu.memory_space<vmem>>, vector<16xi32>,
        %mul3A_687 = arith.constant 2048 : i32
        %mul3A_688 = arith.muli %add3A_417, %mul3A_687 : i32
        %mul3A_689 = arith.constant 128 : i32
        %mul3A_690 = arith.muli %scan3A_526, %mul3A_689 : i32
        %add3A_691 = arith.addi %mul3A_688, %mul3A_690 : i32
        %add3A_692 = arith.constant 80 : i32
        %add3A_693 = arith.addi %add3A_691, %add3A_692 : i32
        %swap3A_694 = arith.index_cast %add3A_693 : i32 to index
        %swap3A_695 = tpu.vector_load %arg6[%swap3A_694] {strides = array<i32>} : memref<65536xi32, #tpu.memory_space<vmem>>, vector<16xi32>,
        tpu.vector_store %arg6[%swap3A_694], %shift_right_logical3A_683 {strides = array<i32>} : memref<65536xi32, #tpu.memory_space<vmem>>, vector<16xi32>,
        %mul3A_696 = arith.constant 128 : i32
        %mul3A_697 = arith.muli %scan3A_526, %mul3A_696 : i32
        %add3A_698 = arith.constant 96 : i32
        %add3A_699 = arith.addi %mul3A_697, %add3A_698 : i32
        %get3A_700 = arith.index_cast %add3A_699 : i32 to index
        %get3A_701 = tpu.vector_load %arg8[%get3A_700] {strides = array<i32>} : memref<2048xf32, #tpu.memory_space<vmem>>, vector<16xf32>,
        %bitcast_convert_type3A_702 = tpu.bitcast %get3A_701 : vector<16xf32> -> vector<16xi32>
        %shift_right_arithmetic3A_703 = arith.constant 31 : i32
        %shift_right_arithmetic3A_704 = vector.broadcast %shift_right_arithmetic3A_703 : i32 to vector<16xi32>
        %shift_right_arithmetic3A_705 = arith.shrsi %bitcast_convert_type3A_702, %shift_right_arithmetic3A_704 : vector<16xi32>
        %or3A_706 = arith.constant -2147483648 : i32
        %or3A_707 = vector.broadcast %or3A_706 : i32 to vector<16xi32>
        %or3A_708 = arith.ori %shift_right_arithmetic3A_705, %or3A_707 : vector<16xi32>
        %xor3A_709 = arith.xori %bitcast_convert_type3A_702, %or3A_708 : vector<16xi32>
        %shift_right_logical3A_710 = arith.constant 16 : i32
        %shift_right_logical3A_711 = vector.broadcast %shift_right_logical3A_710 : i32 to vector<16xi32>
        %shift_right_logical3A_712 = arith.shrui %xor3A_709, %shift_right_logical3A_711 : vector<16xi32>
        %swap3A_713 = arith.index_cast %scan3A_526 : i32 to index
        %swap3A_714 = arith.constant 96 : index
        %swap3A_715 = tpu.vector_load %arg5[%swap3A_713, %swap3A_714] {strides = array<i32>} : memref<16x128xi32, #tpu.memory_space<vmem>>, vector<16xi32>,
        tpu.vector_store %arg5[%swap3A_713, %swap3A_714], %shift_right_logical3A_712 {strides = array<i32>} : memref<16x128xi32, #tpu.memory_space<vmem>>, vector<16xi32>,
        %mul3A_716 = arith.constant 2048 : i32
        %mul3A_717 = arith.muli %add3A_417, %mul3A_716 : i32
        %mul3A_718 = arith.constant 128 : i32
        %mul3A_719 = arith.muli %scan3A_526, %mul3A_718 : i32
        %add3A_720 = arith.addi %mul3A_717, %mul3A_719 : i32
        %add3A_721 = arith.constant 96 : i32
        %add3A_722 = arith.addi %add3A_720, %add3A_721 : i32
        %swap3A_723 = arith.index_cast %add3A_722 : i32 to index
        %swap3A_724 = tpu.vector_load %arg6[%swap3A_723] {strides = array<i32>} : memref<65536xi32, #tpu.memory_space<vmem>>, vector<16xi32>,
        tpu.vector_store %arg6[%swap3A_723], %shift_right_logical3A_712 {strides = array<i32>} : memref<65536xi32, #tpu.memory_space<vmem>>, vector<16xi32>,
        %mul3A_725 = arith.constant 128 : i32
        %mul3A_726 = arith.muli %scan3A_526, %mul3A_725 : i32
        %add3A_727 = arith.constant 112 : i32
        %add3A_728 = arith.addi %mul3A_726, %add3A_727 : i32
        %get3A_729 = arith.index_cast %add3A_728 : i32 to index
        %get3A_730 = tpu.vector_load %arg8[%get3A_729] {strides = array<i32>} : memref<2048xf32, #tpu.memory_space<vmem>>, vector<16xf32>,
        %bitcast_convert_type3A_731 = tpu.bitcast %get3A_730 : vector<16xf32> -> vector<16xi32>
        %shift_right_arithmetic3A_732 = arith.constant 31 : i32
        %shift_right_arithmetic3A_733 = vector.broadcast %shift_right_arithmetic3A_732 : i32 to vector<16xi32>
        %shift_right_arithmetic3A_734 = arith.shrsi %bitcast_convert_type3A_731, %shift_right_arithmetic3A_733 : vector<16xi32>
        %or3A_735 = arith.constant -2147483648 : i32
        %or3A_736 = vector.broadcast %or3A_735 : i32 to vector<16xi32>
        %or3A_737 = arith.ori %shift_right_arithmetic3A_734, %or3A_736 : vector<16xi32>
        %xor3A_738 = arith.xori %bitcast_convert_type3A_731, %or3A_737 : vector<16xi32>
        %shift_right_logical3A_739 = arith.constant 16 : i32
        %shift_right_logical3A_740 = vector.broadcast %shift_right_logical3A_739 : i32 to vector<16xi32>
        %shift_right_logical3A_741 = arith.shrui %xor3A_738, %shift_right_logical3A_740 : vector<16xi32>
        %swap3A_742 = arith.index_cast %scan3A_526 : i32 to index
        %swap3A_743 = arith.constant 112 : index
        %swap3A_744 = tpu.vector_load %arg5[%swap3A_742, %swap3A_743] {strides = array<i32>} : memref<16x128xi32, #tpu.memory_space<vmem>>, vector<16xi32>,
        tpu.vector_store %arg5[%swap3A_742, %swap3A_743], %shift_right_logical3A_741 {strides = array<i32>} : memref<16x128xi32, #tpu.memory_space<vmem>>, vector<16xi32>,
        %mul3A_745 = arith.constant 2048 : i32
        %mul3A_746 = arith.muli %add3A_417, %mul3A_745 : i32
        %mul3A_747 = arith.constant 128 : i32
        %mul3A_748 = arith.muli %scan3A_526, %mul3A_747 : i32
        %add3A_749 = arith.addi %mul3A_746, %mul3A_748 : i32
        %add3A_750 = arith.constant 112 : i32
        %add3A_751 = arith.addi %add3A_749, %add3A_750 : i32
        %swap3A_752 = arith.index_cast %add3A_751 : i32 to index
        %swap3A_753 = tpu.vector_load %arg6[%swap3A_752] {strides = array<i32>} : memref<65536xi32, #tpu.memory_space<vmem>>, vector<16xi32>,
        tpu.vector_store %arg6[%swap3A_752], %shift_right_logical3A_741 {strides = array<i32>} : memref<65536xi32, #tpu.memory_space<vmem>>, vector<16xi32>,
      }
      %scan3A_423 = arith.constant 16 : i32
      %dma_wait3A_424 = arith.constant 0 : i32
      %dma_wait3A_425 = tpu.memref_slice %arg2[%arg0, %dma_wait3A_424] : memref<2x1048576xf32, #tpu.memory_space<hbm>> -> memref<1x2048xf32, #tpu.memory_space<hbm>>
      %dma_wait3A_426 = tpu.memref_squeeze %dma_wait3A_425 : memref<1x2048xf32, #tpu.memory_space<hbm>> -> memref<2048xf32, #tpu.memory_space<hbm>>
      %dma_wait3A_427 = arith.constant 0 : i32
      %dma_wait3A_428 = tpu.memref_slice %arg2[%arg0, %dma_wait3A_427] : memref<2x1048576xf32, #tpu.memory_space<hbm>> -> memref<1x2048xf32, #tpu.memory_space<hbm>>
      %dma_wait3A_429 = tpu.memref_squeeze %dma_wait3A_428 : memref<1x2048xf32, #tpu.memory_space<hbm>> -> memref<2048xf32, #tpu.memory_space<hbm>>
      tpu.wait_dma2 semaphore(%arg19 : memref<!tpu.dma_semaphore, #tpu.memory_space<semaphore_mem>>) src(%dma_wait3A_429 : memref<2048xf32, #tpu.memory_space<hbm>>) dst(%arg9 : memref<2048xf32, #tpu.memory_space<vmem>>)
      %dma_start3A_430 = arith.constant 0 : i32
      %dma_start3A_431 = arith.constant 0 : i32
      %dma_start3A_432 = tpu.memref_slice %arg5[%dma_start3A_430, %dma_start3A_431] : memref<16x128xi32, #tpu.memory_space<vmem>> -> memref<1x128xi32, #tpu.memory_space<vmem>>
      %dma_start3A_433 = tpu.memref_squeeze %dma_start3A_432 : memref<1x128xi32, #tpu.memory_space<vmem>> -> memref<128xi32, #tpu.memory_space<vmem>>
      %dma_start3A_434 = arith.constant 0 : i32
      %dma_start3A_435 = tpu.memref_slice %arg17[%dma_start3A_434] : memref<65536xf32, #tpu.memory_space<vmem_shared>> -> memref<65536xf32, #tpu.memory_space<vmem_shared>>
      tpu.enqueue_indirect_dma source(%arg14 : memref<128xf32, #tpu.memory_space<vmem>>) target(%dma_start3A_435 : memref<65536xf32, #tpu.memory_space<vmem_shared>>) offsets(%dma_start3A_433 : memref<128xi32, #tpu.memory_space<vmem>>) semaphore(%arg19 : memref<!tpu.dma_semaphore, #tpu.memory_space<semaphore_mem>>) {add = true}
      %dma_start3A_436 = arith.constant 1 : i32
      %dma_start3A_437 = arith.constant 0 : i32
      %dma_start3A_438 = tpu.memref_slice %arg5[%dma_start3A_436, %dma_start3A_437] : memref<16x128xi32, #tpu.memory_space<vmem>> -> memref<1x128xi32, #tpu.memory_space<vmem>>
      %dma_start3A_439 = tpu.memref_squeeze %dma_start3A_438 : memref<1x128xi32, #tpu.memory_space<vmem>> -> memref<128xi32, #tpu.memory_space<vmem>>
      %dma_start3A_440 = arith.constant 0 : i32
      %dma_start3A_441 = tpu.memref_slice %arg17[%dma_start3A_440] : memref<65536xf32, #tpu.memory_space<vmem_shared>> -> memref<65536xf32, #tpu.memory_space<vmem_shared>>
      tpu.enqueue_indirect_dma source(%arg14 : memref<128xf32, #tpu.memory_space<vmem>>) target(%dma_start3A_441 : memref<65536xf32, #tpu.memory_space<vmem_shared>>) offsets(%dma_start3A_439 : memref<128xi32, #tpu.memory_space<vmem>>) semaphore(%arg19 : memref<!tpu.dma_semaphore, #tpu.memory_space<semaphore_mem>>) {add = true}
      %dma_start3A_442 = arith.constant 2 : i32
      %dma_start3A_443 = arith.constant 0 : i32
      %dma_start3A_444 = tpu.memref_slice %arg5[%dma_start3A_442, %dma_start3A_443] : memref<16x128xi32, #tpu.memory_space<vmem>> -> memref<1x128xi32, #tpu.memory_space<vmem>>
      %dma_start3A_445 = tpu.memref_squeeze %dma_start3A_444 : memref<1x128xi32, #tpu.memory_space<vmem>> -> memref<128xi32, #tpu.memory_space<vmem>>
      %dma_start3A_446 = arith.constant 0 : i32
      %dma_start3A_447 = tpu.memref_slice %arg17[%dma_start3A_446] : memref<65536xf32, #tpu.memory_space<vmem_shared>> -> memref<65536xf32, #tpu.memory_space<vmem_shared>>
      tpu.enqueue_indirect_dma source(%arg14 : memref<128xf32, #tpu.memory_space<vmem>>) target(%dma_start3A_447 : memref<65536xf32, #tpu.memory_space<vmem_shared>>) offsets(%dma_start3A_445 : memref<128xi32, #tpu.memory_space<vmem>>) semaphore(%arg19 : memref<!tpu.dma_semaphore, #tpu.memory_space<semaphore_mem>>) {add = true}
      %dma_start3A_448 = arith.constant 3 : i32
      %dma_start3A_449 = arith.constant 0 : i32
      %dma_start3A_450 = tpu.memref_slice %arg5[%dma_start3A_448, %dma_start3A_449] : memref<16x128xi32, #tpu.memory_space<vmem>> -> memref<1x128xi32, #tpu.memory_space<vmem>>
      %dma_start3A_451 = tpu.memref_squeeze %dma_start3A_450 : memref<1x128xi32, #tpu.memory_space<vmem>> -> memref<128xi32, #tpu.memory_space<vmem>>
      %dma_start3A_452 = arith.constant 0 : i32
      %dma_start3A_453 = tpu.memref_slice %arg17[%dma_start3A_452] : memref<65536xf32, #tpu.memory_space<vmem_shared>> -> memref<65536xf32, #tpu.memory_space<vmem_shared>>
      tpu.enqueue_indirect_dma source(%arg14 : memref<128xf32, #tpu.memory_space<vmem>>) target(%dma_start3A_453 : memref<65536xf32, #tpu.memory_space<vmem_shared>>) offsets(%dma_start3A_451 : memref<128xi32, #tpu.memory_space<vmem>>) semaphore(%arg19 : memref<!tpu.dma_semaphore, #tpu.memory_space<semaphore_mem>>) {add = true}
      %dma_start3A_454 = arith.constant 4 : i32
      %dma_start3A_455 = arith.constant 0 : i32
      %dma_start3A_456 = tpu.memref_slice %arg5[%dma_start3A_454, %dma_start3A_455] : memref<16x128xi32, #tpu.memory_space<vmem>> -> memref<1x128xi32, #tpu.memory_space<vmem>>
      %dma_start3A_457 = tpu.memref_squeeze %dma_start3A_456 : memref<1x128xi32, #tpu.memory_space<vmem>> -> memref<128xi32, #tpu.memory_space<vmem>>
      %dma_start3A_458 = arith.constant 0 : i32
      %dma_start3A_459 = tpu.memref_slice %arg17[%dma_start3A_458] : memref<65536xf32, #tpu.memory_space<vmem_shared>> -> memref<65536xf32, #tpu.memory_space<vmem_shared>>
      tpu.enqueue_indirect_dma source(%arg14 : memref<128xf32, #tpu.memory_space<vmem>>) target(%dma_start3A_459 : memref<65536xf32, #tpu.memory_space<vmem_shared>>) offsets(%dma_start3A_457 : memref<128xi32, #tpu.memory_space<vmem>>) semaphore(%arg19 : memref<!tpu.dma_semaphore, #tpu.memory_space<semaphore_mem>>) {add = true}
      %dma_start3A_460 = arith.constant 5 : i32
      %dma_start3A_461 = arith.constant 0 : i32
      %dma_start3A_462 = tpu.memref_slice %arg5[%dma_start3A_460, %dma_start3A_461] : memref<16x128xi32, #tpu.memory_space<vmem>> -> memref<1x128xi32, #tpu.memory_space<vmem>>
      %dma_start3A_463 = tpu.memref_squeeze %dma_start3A_462 : memref<1x128xi32, #tpu.memory_space<vmem>> -> memref<128xi32, #tpu.memory_space<vmem>>
      %dma_start3A_464 = arith.constant 0 : i32
      %dma_start3A_465 = tpu.memref_slice %arg17[%dma_start3A_464] : memref<65536xf32, #tpu.memory_space<vmem_shared>> -> memref<65536xf32, #tpu.memory_space<vmem_shared>>
      tpu.enqueue_indirect_dma source(%arg14 : memref<128xf32, #tpu.memory_space<vmem>>) target(%dma_start3A_465 : memref<65536xf32, #tpu.memory_space<vmem_shared>>) offsets(%dma_start3A_463 : memref<128xi32, #tpu.memory_space<vmem>>) semaphore(%arg19 : memref<!tpu.dma_semaphore, #tpu.memory_space<semaphore_mem>>) {add = true}
      %dma_start3A_466 = arith.constant 6 : i32
      %dma_start3A_467 = arith.constant 0 : i32
      %dma_start3A_468 = tpu.memref_slice %arg5[%dma_start3A_466, %dma_start3A_467] : memref<16x128xi32, #tpu.memory_space<vmem>> -> memref<1x128xi32, #tpu.memory_space<vmem>>
      %dma_start3A_469 = tpu.memref_squeeze %dma_start3A_468 : memref<1x128xi32, #tpu.memory_space<vmem>> -> memref<128xi32, #tpu.memory_space<vmem>>
      %dma_start3A_470 = arith.constant 0 : i32
      %dma_start3A_471 = tpu.memref_slice %arg17[%dma_start3A_470] : memref<65536xf32, #tpu.memory_space<vmem_shared>> -> memref<65536xf32, #tpu.memory_space<vmem_shared>>
      tpu.enqueue_indirect_dma source(%arg14 : memref<128xf32, #tpu.memory_space<vmem>>) target(%dma_start3A_471 : memref<65536xf32, #tpu.memory_space<vmem_shared>>) offsets(%dma_start3A_469 : memref<128xi32, #tpu.memory_space<vmem>>) semaphore(%arg19 : memref<!tpu.dma_semaphore, #tpu.memory_space<semaphore_mem>>) {add = true}
      %dma_start3A_472 = arith.constant 7 : i32
      %dma_start3A_473 = arith.constant 0 : i32
      %dma_start3A_474 = tpu.memref_slice %arg5[%dma_start3A_472, %dma_start3A_473] : memref<16x128xi32, #tpu.memory_space<vmem>> -> memref<1x128xi32, #tpu.memory_space<vmem>>
      %dma_start3A_475 = tpu.memref_squeeze %dma_start3A_474 : memref<1x128xi32, #tpu.memory_space<vmem>> -> memref<128xi32, #tpu.memory_space<vmem>>
      %dma_start3A_476 = arith.constant 0 : i32
      %dma_start3A_477 = tpu.memref_slice %arg17[%dma_start3A_476] : memref<65536xf32, #tpu.memory_space<vmem_shared>> -> memref<65536xf32, #tpu.memory_space<vmem_shared>>
      tpu.enqueue_indirect_dma source(%arg14 : memref<128xf32, #tpu.memory_space<vmem>>) target(%dma_start3A_477 : memref<65536xf32, #tpu.memory_space<vmem_shared>>) offsets(%dma_start3A_475 : memref<128xi32, #tpu.memory_space<vmem>>) semaphore(%arg19 : memref<!tpu.dma_semaphore, #tpu.memory_space<semaphore_mem>>) {add = true}
      %dma_start3A_478 = arith.constant 8 : i32
      %dma_start3A_479 = arith.constant 0 : i32
      %dma_start3A_480 = tpu.memref_slice %arg5[%dma_start3A_478, %dma_start3A_479] : memref<16x128xi32, #tpu.memory_space<vmem>> -> memref<1x128xi32, #tpu.memory_space<vmem>>
      %dma_start3A_481 = tpu.memref_squeeze %dma_start3A_480 : memref<1x128xi32, #tpu.memory_space<vmem>> -> memref<128xi32, #tpu.memory_space<vmem>>
      %dma_start3A_482 = arith.constant 0 : i32
      %dma_start3A_483 = tpu.memref_slice %arg17[%dma_start3A_482] : memref<65536xf32, #tpu.memory_space<vmem_shared>> -> memref<65536xf32, #tpu.memory_space<vmem_shared>>
      tpu.enqueue_indirect_dma source(%arg14 : memref<128xf32, #tpu.memory_space<vmem>>) target(%dma_start3A_483 : memref<65536xf32, #tpu.memory_space<vmem_shared>>) offsets(%dma_start3A_481 : memref<128xi32, #tpu.memory_space<vmem>>) semaphore(%arg19 : memref<!tpu.dma_semaphore, #tpu.memory_space<semaphore_mem>>) {add = true}
      %dma_start3A_484 = arith.constant 9 : i32
      %dma_start3A_485 = arith.constant 0 : i32
      %dma_start3A_486 = tpu.memref_slice %arg5[%dma_start3A_484, %dma_start3A_485] : memref<16x128xi32, #tpu.memory_space<vmem>> -> memref<1x128xi32, #tpu.memory_space<vmem>>
      %dma_start3A_487 = tpu.memref_squeeze %dma_start3A_486 : memref<1x128xi32, #tpu.memory_space<vmem>> -> memref<128xi32, #tpu.memory_space<vmem>>
      %dma_start3A_488 = arith.constant 0 : i32
      %dma_start3A_489 = tpu.memref_slice %arg17[%dma_start3A_488] : memref<65536xf32, #tpu.memory_space<vmem_shared>> -> memref<65536xf32, #tpu.memory_space<vmem_shared>>
      tpu.enqueue_indirect_dma source(%arg14 : memref<128xf32, #tpu.memory_space<vmem>>) target(%dma_start3A_489 : memref<65536xf32, #tpu.memory_space<vmem_shared>>) offsets(%dma_start3A_487 : memref<128xi32, #tpu.memory_space<vmem>>) semaphore(%arg19 : memref<!tpu.dma_semaphore, #tpu.memory_space<semaphore_mem>>) {add = true}
      %dma_start3A_490 = arith.constant 10 : i32
      %dma_start3A_491 = arith.constant 0 : i32
      %dma_start3A_492 = tpu.memref_slice %arg5[%dma_start3A_490, %dma_start3A_491] : memref<16x128xi32, #tpu.memory_space<vmem>> -> memref<1x128xi32, #tpu.memory_space<vmem>>
      %dma_start3A_493 = tpu.memref_squeeze %dma_start3A_492 : memref<1x128xi32, #tpu.memory_space<vmem>> -> memref<128xi32, #tpu.memory_space<vmem>>
      %dma_start3A_494 = arith.constant 0 : i32
      %dma_start3A_495 = tpu.memref_slice %arg17[%dma_start3A_494] : memref<65536xf32, #tpu.memory_space<vmem_shared>> -> memref<65536xf32, #tpu.memory_space<vmem_shared>>
      tpu.enqueue_indirect_dma source(%arg14 : memref<128xf32, #tpu.memory_space<vmem>>) target(%dma_start3A_495 : memref<65536xf32, #tpu.memory_space<vmem_shared>>) offsets(%dma_start3A_493 : memref<128xi32, #tpu.memory_space<vmem>>) semaphore(%arg19 : memref<!tpu.dma_semaphore, #tpu.memory_space<semaphore_mem>>) {add = true}
      %dma_start3A_496 = arith.constant 11 : i32
      %dma_start3A_497 = arith.constant 0 : i32
      %dma_start3A_498 = tpu.memref_slice %arg5[%dma_start3A_496, %dma_start3A_497] : memref<16x128xi32, #tpu.memory_space<vmem>> -> memref<1x128xi32, #tpu.memory_space<vmem>>
      %dma_start3A_499 = tpu.memref_squeeze %dma_start3A_498 : memref<1x128xi32, #tpu.memory_space<vmem>> -> memref<128xi32, #tpu.memory_space<vmem>>
      %dma_start3A_500 = arith.constant 0 : i32
      %dma_start3A_501 = tpu.memref_slice %arg17[%dma_start3A_500] : memref<65536xf32, #tpu.memory_space<vmem_shared>> -> memref<65536xf32, #tpu.memory_space<vmem_shared>>
      tpu.enqueue_indirect_dma source(%arg14 : memref<128xf32, #tpu.memory_space<vmem>>) target(%dma_start3A_501 : memref<65536xf32, #tpu.memory_space<vmem_shared>>) offsets(%dma_start3A_499 : memref<128xi32, #tpu.memory_space<vmem>>) semaphore(%arg19 : memref<!tpu.dma_semaphore, #tpu.memory_space<semaphore_mem>>) {add = true}
      %dma_start3A_502 = arith.constant 12 : i32
      %dma_start3A_503 = arith.constant 0 : i32
      %dma_start3A_504 = tpu.memref_slice %arg5[%dma_start3A_502, %dma_start3A_503] : memref<16x128xi32, #tpu.memory_space<vmem>> -> memref<1x128xi32, #tpu.memory_space<vmem>>
      %dma_start3A_505 = tpu.memref_squeeze %dma_start3A_504 : memref<1x128xi32, #tpu.memory_space<vmem>> -> memref<128xi32, #tpu.memory_space<vmem>>
      %dma_start3A_506 = arith.constant 0 : i32
      %dma_start3A_507 = tpu.memref_slice %arg17[%dma_start3A_506] : memref<65536xf32, #tpu.memory_space<vmem_shared>> -> memref<65536xf32, #tpu.memory_space<vmem_shared>>
      tpu.enqueue_indirect_dma source(%arg14 : memref<128xf32, #tpu.memory_space<vmem>>) target(%dma_start3A_507 : memref<65536xf32, #tpu.memory_space<vmem_shared>>) offsets(%dma_start3A_505 : memref<128xi32, #tpu.memory_space<vmem>>) semaphore(%arg19 : memref<!tpu.dma_semaphore, #tpu.memory_space<semaphore_mem>>) {add = true}
      %dma_start3A_508 = arith.constant 13 : i32
      %dma_start3A_509 = arith.constant 0 : i32
      %dma_start3A_510 = tpu.memref_slice %arg5[%dma_start3A_508, %dma_start3A_509] : memref<16x128xi32, #tpu.memory_space<vmem>> -> memref<1x128xi32, #tpu.memory_space<vmem>>
      %dma_start3A_511 = tpu.memref_squeeze %dma_start3A_510 : memref<1x128xi32, #tpu.memory_space<vmem>> -> memref<128xi32, #tpu.memory_space<vmem>>
      %dma_start3A_512 = arith.constant 0 : i32
      %dma_start3A_513 = tpu.memref_slice %arg17[%dma_start3A_512] : memref<65536xf32, #tpu.memory_space<vmem_shared>> -> memref<65536xf32, #tpu.memory_space<vmem_shared>>
      tpu.enqueue_indirect_dma source(%arg14 : memref<128xf32, #tpu.memory_space<vmem>>) target(%dma_start3A_513 : memref<65536xf32, #tpu.memory_space<vmem_shared>>) offsets(%dma_start3A_511 : memref<128xi32, #tpu.memory_space<vmem>>) semaphore(%arg19 : memref<!tpu.dma_semaphore, #tpu.memory_space<semaphore_mem>>) {add = true}
      %dma_start3A_514 = arith.constant 14 : i32
      %dma_start3A_515 = arith.constant 0 : i32
      %dma_start3A_516 = tpu.memref_slice %arg5[%dma_start3A_514, %dma_start3A_515] : memref<16x128xi32, #tpu.memory_space<vmem>> -> memref<1x128xi32, #tpu.memory_space<vmem>>
      %dma_start3A_517 = tpu.memref_squeeze %dma_start3A_516 : memref<1x128xi32, #tpu.memory_space<vmem>> -> memref<128xi32, #tpu.memory_space<vmem>>
      %dma_start3A_518 = arith.constant 0 : i32
      %dma_start3A_519 = tpu.memref_slice %arg17[%dma_start3A_518] : memref<65536xf32, #tpu.memory_space<vmem_shared>> -> memref<65536xf32, #tpu.memory_space<vmem_shared>>
      tpu.enqueue_indirect_dma source(%arg14 : memref<128xf32, #tpu.memory_space<vmem>>) target(%dma_start3A_519 : memref<65536xf32, #tpu.memory_space<vmem_shared>>) offsets(%dma_start3A_517 : memref<128xi32, #tpu.memory_space<vmem>>) semaphore(%arg19 : memref<!tpu.dma_semaphore, #tpu.memory_space<semaphore_mem>>) {add = true}
      %dma_start3A_520 = arith.constant 15 : i32
      %dma_start3A_521 = arith.constant 0 : i32
      %dma_start3A_522 = tpu.memref_slice %arg5[%dma_start3A_520, %dma_start3A_521] : memref<16x128xi32, #tpu.memory_space<vmem>> -> memref<1x128xi32, #tpu.memory_space<vmem>>
      %dma_start3A_523 = tpu.memref_squeeze %dma_start3A_522 : memref<1x128xi32, #tpu.memory_space<vmem>> -> memref<128xi32, #tpu.memory_space<vmem>>
      %dma_start3A_524 = arith.constant 0 : i32
      %dma_start3A_525 = tpu.memref_slice %arg17[%dma_start3A_524] : memref<65536xf32, #tpu.memory_space<vmem_shared>> -> memref<65536xf32, #tpu.memory_space<vmem_shared>>
      tpu.enqueue_indirect_dma source(%arg14 : memref<128xf32, #tpu.memory_space<vmem>>) target(%dma_start3A_525 : memref<65536xf32, #tpu.memory_space<vmem_shared>>) offsets(%dma_start3A_523 : memref<128xi32, #tpu.memory_space<vmem>>) semaphore(%arg19 : memref<!tpu.dma_semaphore, #tpu.memory_space<semaphore_mem>>) {add = true}
    }
    %scan3A_41 = arith.constant 16 : i32
    %dma_wait3A = arith.constant 0 : i32
    %dma_wait3A_42 = tpu.memref_slice %arg2[%arg0, %dma_wait3A] : memref<2x1048576xf32, #tpu.memory_space<hbm>> -> memref<1x2048xf32, #tpu.memory_space<hbm>>
    %dma_wait3A_43 = tpu.memref_squeeze %dma_wait3A_42 : memref<1x2048xf32, #tpu.memory_space<hbm>> -> memref<2048xf32, #tpu.memory_space<hbm>>
    %dma_wait3A_44 = arith.constant 0 : i32
    %dma_wait3A_45 = tpu.memref_slice %arg2[%arg0, %dma_wait3A_44] : memref<2x1048576xf32, #tpu.memory_space<hbm>> -> memref<1x2048xf32, #tpu.memory_space<hbm>>
    %dma_wait3A_46 = tpu.memref_squeeze %dma_wait3A_45 : memref<1x2048xf32, #tpu.memory_space<hbm>> -> memref<2048xf32, #tpu.memory_space<hbm>>
    tpu.wait_dma2 semaphore(%arg19 : memref<!tpu.dma_semaphore, #tpu.memory_space<semaphore_mem>>) src(%dma_wait3A_46 : memref<2048xf32, #tpu.memory_space<hbm>>) dst(%arg9 : memref<2048xf32, #tpu.memory_space<vmem>>)
    %add3A_47 = arith.constant 63488 : i32
    %add3A_48 = arith.addi %mul3A_0, %add3A_47 : i32
    %dma_wait3A_49 = tpu.memref_slice %arg2[%arg0, %add3A_48] : memref<2x1048576xf32, #tpu.memory_space<hbm>> -> memref<1x2048xf32, #tpu.memory_space<hbm>>
    %dma_wait3A_50 = tpu.memref_squeeze %dma_wait3A_49 : memref<1x2048xf32, #tpu.memory_space<hbm>> -> memref<2048xf32, #tpu.memory_space<hbm>>
    %dma_wait3A_51 = tpu.memref_slice %arg2[%arg0, %add3A_48] : memref<2x1048576xf32, #tpu.memory_space<hbm>> -> memref<1x2048xf32, #tpu.memory_space<hbm>>
    %dma_wait3A_52 = tpu.memref_squeeze %dma_wait3A_51 : memref<1x2048xf32, #tpu.memory_space<hbm>> -> memref<2048xf32, #tpu.memory_space<hbm>>
    tpu.wait_dma2 semaphore(%arg20 : memref<!tpu.dma_semaphore, #tpu.memory_space<semaphore_mem>>) src(%dma_wait3A_52 : memref<2048xf32, #tpu.memory_space<hbm>>) dst(%arg7 : memref<2048xf32, #tpu.memory_space<vmem>>)
    %barrier3A_53 = arith.constant 0 : index
    tpu.barrier barrier_id(%barrier3A_53)
    %scan3A_54 = arith.constant 0 : i32
    %mul3A_55 = arith.constant 4096 : i32
    %mul3A_56 = arith.muli %arg1, %mul3A_55 : i32
    %mul3A_57 = arith.constant 4096 : i32
    %mul3A_58 = arith.muli %scan3A_54, %mul3A_57 : i32
    %add3A_59 = arith.addi %mul3A_56, %mul3A_58 : i32
    "tpu.region"() ({
      %run_scoped3A = tpu.sem_alloc : memref<!tpu.dma_semaphore, #tpu.memory_space<semaphore_mem>>
      %dma_start3A_274 = tpu.memref_slice %arg17[%add3A_59] : memref<65536xf32, #tpu.memory_space<vmem_shared>> -> memref<4096xf32, #tpu.memory_space<vmem_shared>>
      %dma_start3A_275 = tpu.memref_slice %arg17[%add3A_59] : memref<65536xf32, #tpu.memory_space<vmem_shared>> -> memref<4096xf32, #tpu.memory_space<vmem_shared>>
      tpu.enqueue_dma source(%dma_start3A_275 : memref<4096xf32, #tpu.memory_space<vmem_shared>>) target(%arg12 : memref<4096xf32, #tpu.memory_space<vmem>>) target_semaphore(%run_scoped3A : memref<!tpu.dma_semaphore, #tpu.memory_space<semaphore_mem>>)
      %dma_wait3A_276 = tpu.memref_slice %arg17[%add3A_59] : memref<65536xf32, #tpu.memory_space<vmem_shared>> -> memref<4096xf32, #tpu.memory_space<vmem_shared>>
      %dma_wait3A_277 = tpu.memref_slice %arg17[%add3A_59] : memref<65536xf32, #tpu.memory_space<vmem_shared>> -> memref<4096xf32, #tpu.memory_space<vmem_shared>>
      tpu.wait_dma2 semaphore(%run_scoped3A : memref<!tpu.dma_semaphore, #tpu.memory_space<semaphore_mem>>) src(%dma_wait3A_277 : memref<4096xf32, #tpu.memory_space<vmem_shared>>) dst(%arg12 : memref<4096xf32, #tpu.memory_space<vmem>>)
      tpu.yield
    }) : () -> ()
    %scan3A_60 = arith.constant 0 : i32
    %scan3A_61 = arith.constant 256 : i32
    %scan3A_62 = arith.addi %scan3A_60, %scan3A_61 : i32
    %scan3A_63 = arith.constant 1 : i32
    %scan3A_64 = scf.for %scan3A_274 = %scan3A_60 to %scan3A_62 step %scan3A_63 iter_args(%scan3A_275 = %broadcast_in_dim3A_1) -> (vector<16xf32>)  : i32 {
      %mul3A_276 = arith.constant 16 : i32
      %mul3A_277 = arith.muli %scan3A_274, %mul3A_276 : i32
      %get3A_278 = arith.index_cast %mul3A_277 : i32 to index
      %get3A_279 = tpu.vector_load %arg12[%get3A_278] {strides = array<i32>} : memref<4096xf32, #tpu.memory_space<vmem>>, vector<16xf32>,
      %add3A_280 = arith.addf %scan3A_275, %get3A_279 : vector<16xf32>
      scf.yield %add3A_280 : vector<16xf32>
    }
    %scan3A_65 = arith.constant 256 : i32
    %scan3A_66 = arith.constant 1 : i32
    %reduce_sum3A = arith.constant true
    %reduce_sum3A_67 = vector.broadcast %reduce_sum3A : i1 to vector<16xi1>
    %reduce_sum3A_68 = tpu.scan <sum>, %scan3A_64 masked %reduce_sum3A_67 : vector<16xf32>, vector<16xi1> -> vector<16xf32>
    %reduce_sum3A_69 = vector.extract %reduce_sum3A_68[15] : f32 from vector<16xf32>
    %broadcast_in_dim3A_70 = vector.broadcast %reduce_sum3A_69 : f32 to vector<16xf32>
    %swap3A_71 = arith.constant 0 : index
    %swap3A_72 = tpu.vector_load %arg15[%swap3A_71] {strides = array<i32>} : memref<128xf32, #tpu.memory_space<vmem>>, vector<16xf32>,
    tpu.vector_store %arg15[%swap3A_71], %broadcast_in_dim3A_70 {strides = array<i32>} : memref<128xf32, #tpu.memory_space<vmem>>, vector<16xf32>,
    %broadcast_in_dim3A_73 = vector.broadcast %reduce_sum3A_69 : f32 to vector<16xf32>
    %swap3A_74 = arith.constant 16 : index
    %swap3A_75 = tpu.vector_load %arg15[%swap3A_74] {strides = array<i32>} : memref<128xf32, #tpu.memory_space<vmem>>, vector<16xf32>,
    tpu.vector_store %arg15[%swap3A_74], %broadcast_in_dim3A_73 {strides = array<i32>} : memref<128xf32, #tpu.memory_space<vmem>>, vector<16xf32>,
    %broadcast_in_dim3A_76 = vector.broadcast %reduce_sum3A_69 : f32 to vector<16xf32>
    %swap3A_77 = arith.constant 32 : index
    %swap3A_78 = tpu.vector_load %arg15[%swap3A_77] {strides = array<i32>} : memref<128xf32, #tpu.memory_space<vmem>>, vector<16xf32>,
    tpu.vector_store %arg15[%swap3A_77], %broadcast_in_dim3A_76 {strides = array<i32>} : memref<128xf32, #tpu.memory_space<vmem>>, vector<16xf32>,
    %broadcast_in_dim3A_79 = vector.broadcast %reduce_sum3A_69 : f32 to vector<16xf32>
    %swap3A_80 = arith.constant 48 : index
    %swap3A_81 = tpu.vector_load %arg15[%swap3A_80] {strides = array<i32>} : memref<128xf32, #tpu.memory_space<vmem>>, vector<16xf32>,
    tpu.vector_store %arg15[%swap3A_80], %broadcast_in_dim3A_79 {strides = array<i32>} : memref<128xf32, #tpu.memory_space<vmem>>, vector<16xf32>,
    %broadcast_in_dim3A_82 = vector.broadcast %reduce_sum3A_69 : f32 to vector<16xf32>
    %swap3A_83 = arith.constant 64 : index
    %swap3A_84 = tpu.vector_load %arg15[%swap3A_83] {strides = array<i32>} : memref<128xf32, #tpu.memory_space<vmem>>, vector<16xf32>,
    tpu.vector_store %arg15[%swap3A_83], %broadcast_in_dim3A_82 {strides = array<i32>} : memref<128xf32, #tpu.memory_space<vmem>>, vector<16xf32>,
    %broadcast_in_dim3A_85 = vector.broadcast %reduce_sum3A_69 : f32 to vector<16xf32>
    %swap3A_86 = arith.constant 80 : index
    %swap3A_87 = tpu.vector_load %arg15[%swap3A_86] {strides = array<i32>} : memref<128xf32, #tpu.memory_space<vmem>>, vector<16xf32>,
    tpu.vector_store %arg15[%swap3A_86], %broadcast_in_dim3A_85 {strides = array<i32>} : memref<128xf32, #tpu.memory_space<vmem>>, vector<16xf32>,
    %broadcast_in_dim3A_88 = vector.broadcast %reduce_sum3A_69 : f32 to vector<16xf32>
    %swap3A_89 = arith.constant 96 : index
    %swap3A_90 = tpu.vector_load %arg15[%swap3A_89] {strides = array<i32>} : memref<128xf32, #tpu.memory_space<vmem>>, vector<16xf32>,
    tpu.vector_store %arg15[%swap3A_89], %broadcast_in_dim3A_88 {strides = array<i32>} : memref<128xf32, #tpu.memory_space<vmem>>, vector<16xf32>,
    %broadcast_in_dim3A_91 = vector.broadcast %reduce_sum3A_69 : f32 to vector<16xf32>
    %swap3A_92 = arith.constant 112 : index
    %swap3A_93 = tpu.vector_load %arg15[%swap3A_92] {strides = array<i32>} : memref<128xf32, #tpu.memory_space<vmem>>, vector<16xf32>,
    tpu.vector_store %arg15[%swap3A_92], %broadcast_in_dim3A_91 {strides = array<i32>} : memref<128xf32, #tpu.memory_space<vmem>>, vector<16xf32>,
    "tpu.region"() ({
      %run_scoped3A = tpu.sem_alloc : memref<!tpu.dma_semaphore, #tpu.memory_space<semaphore_mem>>
      %dma_start3A_274 = arith.constant 0 : i32
      %dma_start3A_275 = tpu.memref_slice %arg18[%arg1, %dma_start3A_274] : memref<16x128xf32, #tpu.memory_space<vmem_shared>> -> memref<1x128xf32, #tpu.memory_space<vmem_shared>>
      %dma_start3A_276 = tpu.memref_squeeze %dma_start3A_275 : memref<1x128xf32, #tpu.memory_space<vmem_shared>> -> memref<128xf32, #tpu.memory_space<vmem_shared>>
      %dma_start3A_277 = arith.constant 0 : i32
      %dma_start3A_278 = tpu.memref_slice %arg18[%arg1, %dma_start3A_277] : memref<16x128xf32, #tpu.memory_space<vmem_shared>> -> memref<1x128xf32, #tpu.memory_space<vmem_shared>>
      %dma_start3A_279 = tpu.memref_squeeze %dma_start3A_278 : memref<1x128xf32, #tpu.memory_space<vmem_shared>> -> memref<128xf32, #tpu.memory_space<vmem_shared>>
      tpu.enqueue_dma source(%arg15 : memref<128xf32, #tpu.memory_space<vmem>>) target(%dma_start3A_279 : memref<128xf32, #tpu.memory_space<vmem_shared>>) target_semaphore(%run_scoped3A : memref<!tpu.dma_semaphore, #tpu.memory_space<semaphore_mem>>)
      %dma_wait3A_280 = arith.constant 0 : i32
      %dma_wait3A_281 = tpu.memref_slice %arg18[%arg1, %dma_wait3A_280] : memref<16x128xf32, #tpu.memory_space<vmem_shared>> -> memref<1x128xf32, #tpu.memory_space<vmem_shared>>
      %dma_wait3A_282 = tpu.memref_squeeze %dma_wait3A_281 : memref<1x128xf32, #tpu.memory_space<vmem_shared>> -> memref<128xf32, #tpu.memory_space<vmem_shared>>
      %dma_wait3A_283 = arith.constant 0 : i32
      %dma_wait3A_284 = tpu.memref_slice %arg18[%arg1, %dma_wait3A_283] : memref<16x128xf32, #tpu.memory_space<vmem_shared>> -> memref<1x128xf32, #tpu.memory_space<vmem_shared>>
      %dma_wait3A_285 = tpu.memref_squeeze %dma_wait3A_284 : memref<1x128xf32, #tpu.memory_space<vmem_shared>> -> memref<128xf32, #tpu.memory_space<vmem_shared>>
      tpu.wait_dma2 semaphore(%run_scoped3A : memref<!tpu.dma_semaphore, #tpu.memory_space<semaphore_mem>>) src(%arg15 : memref<128xf32, #tpu.memory_space<vmem>>) dst(%dma_wait3A_285 : memref<128xf32, #tpu.memory_space<vmem_shared>>)
      tpu.yield
    }) : () -> ()
    %barrier3A_94 = arith.constant 0 : index
    tpu.barrier barrier_id(%barrier3A_94)
    "tpu.region"() ({
      %run_scoped3A = tpu.sem_alloc : memref<!tpu.dma_semaphore, #tpu.memory_space<semaphore_mem>>
      tpu.enqueue_dma source(%arg18 : memref<16x128xf32, #tpu.memory_space<vmem_shared>>) target(%arg16 : memref<16x128xf32, #tpu.memory_space<vmem>>) target_semaphore(%run_scoped3A : memref<!tpu.dma_semaphore, #tpu.memory_space<semaphore_mem>>)
      tpu.wait_dma2 semaphore(%run_scoped3A : memref<!tpu.dma_semaphore, #tpu.memory_space<semaphore_mem>>) src(%arg18 : memref<16x128xf32, #tpu.memory_space<vmem_shared>>) dst(%arg16 : memref<16x128xf32, #tpu.memory_space<vmem>>)
      tpu.yield
    }) : () -> ()
    %broadcast_in_dim3A_95 = arith.constant 0 : i32
    %broadcast_in_dim3A_96 = vector.broadcast %broadcast_in_dim3A_95 : i32 to vector<16xi32>
    %lt3A = vector.broadcast %arg1 : i32 to vector<16xi32>
    %lt3A_97 = arith.cmpi slt, %broadcast_in_dim3A_96, %lt3A : vector<16xi32>
    %get3A = arith.constant 0 : i32
    %get3A_98 = arith.index_cast %get3A : i32 to index
    %get3A_99 = arith.constant 0 : index
    %get3A_100 = tpu.vector_load %arg16[%get3A_98, %get3A_99] {strides = array<i32>} : memref<16x128xf32, #tpu.memory_space<vmem>>, vector<16xf32>,
    %select_n3A = arith.select %lt3A_97, %get3A_100, %broadcast_in_dim3A_1 : vector<16xi1>, vector<16xf32>
    %add3A_101 = arith.addf %broadcast_in_dim3A_1, %select_n3A : vector<16xf32>
    %broadcast_in_dim3A_102 = arith.constant 1 : i32
    %broadcast_in_dim3A_103 = vector.broadcast %broadcast_in_dim3A_102 : i32 to vector<16xi32>
    %lt3A_104 = vector.broadcast %arg1 : i32 to vector<16xi32>
    %lt3A_105 = arith.cmpi slt, %broadcast_in_dim3A_103, %lt3A_104 : vector<16xi32>
    %get3A_106 = arith.constant 1 : i32
    %get3A_107 = arith.index_cast %get3A_106 : i32 to index
    %get3A_108 = arith.constant 0 : index
    %get3A_109 = tpu.vector_load %arg16[%get3A_107, %get3A_108] {strides = array<i32>} : memref<16x128xf32, #tpu.memory_space<vmem>>, vector<16xf32>,
    %select_n3A_110 = arith.select %lt3A_105, %get3A_109, %broadcast_in_dim3A_1 : vector<16xi1>, vector<16xf32>
    %add3A_111 = arith.addf %add3A_101, %select_n3A_110 : vector<16xf32>
    %broadcast_in_dim3A_112 = arith.constant 2 : i32
    %broadcast_in_dim3A_113 = vector.broadcast %broadcast_in_dim3A_112 : i32 to vector<16xi32>
    %lt3A_114 = vector.broadcast %arg1 : i32 to vector<16xi32>
    %lt3A_115 = arith.cmpi slt, %broadcast_in_dim3A_113, %lt3A_114 : vector<16xi32>
    %get3A_116 = arith.constant 2 : i32
    %get3A_117 = arith.index_cast %get3A_116 : i32 to index
    %get3A_118 = arith.constant 0 : index
    %get3A_119 = tpu.vector_load %arg16[%get3A_117, %get3A_118] {strides = array<i32>} : memref<16x128xf32, #tpu.memory_space<vmem>>, vector<16xf32>,
    %select_n3A_120 = arith.select %lt3A_115, %get3A_119, %broadcast_in_dim3A_1 : vector<16xi1>, vector<16xf32>
    %add3A_121 = arith.addf %add3A_111, %select_n3A_120 : vector<16xf32>
    %broadcast_in_dim3A_122 = arith.constant 3 : i32
    %broadcast_in_dim3A_123 = vector.broadcast %broadcast_in_dim3A_122 : i32 to vector<16xi32>
    %lt3A_124 = vector.broadcast %arg1 : i32 to vector<16xi32>
    %lt3A_125 = arith.cmpi slt, %broadcast_in_dim3A_123, %lt3A_124 : vector<16xi32>
    %get3A_126 = arith.constant 3 : i32
    %get3A_127 = arith.index_cast %get3A_126 : i32 to index
    %get3A_128 = arith.constant 0 : index
    %get3A_129 = tpu.vector_load %arg16[%get3A_127, %get3A_128] {strides = array<i32>} : memref<16x128xf32, #tpu.memory_space<vmem>>, vector<16xf32>,
    %select_n3A_130 = arith.select %lt3A_125, %get3A_129, %broadcast_in_dim3A_1 : vector<16xi1>, vector<16xf32>
    %add3A_131 = arith.addf %add3A_121, %select_n3A_130 : vector<16xf32>
    %broadcast_in_dim3A_132 = arith.constant 4 : i32
    %broadcast_in_dim3A_133 = vector.broadcast %broadcast_in_dim3A_132 : i32 to vector<16xi32>
    %lt3A_134 = vector.broadcast %arg1 : i32 to vector<16xi32>
    %lt3A_135 = arith.cmpi slt, %broadcast_in_dim3A_133, %lt3A_134 : vector<16xi32>
    %get3A_136 = arith.constant 4 : i32
    %get3A_137 = arith.index_cast %get3A_136 : i32 to index
    %get3A_138 = arith.constant 0 : index
    %get3A_139 = tpu.vector_load %arg16[%get3A_137, %get3A_138] {strides = array<i32>} : memref<16x128xf32, #tpu.memory_space<vmem>>, vector<16xf32>,
    %select_n3A_140 = arith.select %lt3A_135, %get3A_139, %broadcast_in_dim3A_1 : vector<16xi1>, vector<16xf32>
    %add3A_141 = arith.addf %add3A_131, %select_n3A_140 : vector<16xf32>
    %broadcast_in_dim3A_142 = arith.constant 5 : i32
    %broadcast_in_dim3A_143 = vector.broadcast %broadcast_in_dim3A_142 : i32 to vector<16xi32>
    %lt3A_144 = vector.broadcast %arg1 : i32 to vector<16xi32>
    %lt3A_145 = arith.cmpi slt, %broadcast_in_dim3A_143, %lt3A_144 : vector<16xi32>
    %get3A_146 = arith.constant 5 : i32
    %get3A_147 = arith.index_cast %get3A_146 : i32 to index
    %get3A_148 = arith.constant 0 : index
    %get3A_149 = tpu.vector_load %arg16[%get3A_147, %get3A_148] {strides = array<i32>} : memref<16x128xf32, #tpu.memory_space<vmem>>, vector<16xf32>,
    %select_n3A_150 = arith.select %lt3A_145, %get3A_149, %broadcast_in_dim3A_1 : vector<16xi1>, vector<16xf32>
    %add3A_151 = arith.addf %add3A_141, %select_n3A_150 : vector<16xf32>
    %broadcast_in_dim3A_152 = arith.constant 6 : i32
    %broadcast_in_dim3A_153 = vector.broadcast %broadcast_in_dim3A_152 : i32 to vector<16xi32>
    %lt3A_154 = vector.broadcast %arg1 : i32 to vector<16xi32>
    %lt3A_155 = arith.cmpi slt, %broadcast_in_dim3A_153, %lt3A_154 : vector<16xi32>
    %get3A_156 = arith.constant 6 : i32
    %get3A_157 = arith.index_cast %get3A_156 : i32 to index
    %get3A_158 = arith.constant 0 : index
    %get3A_159 = tpu.vector_load %arg16[%get3A_157, %get3A_158] {strides = array<i32>} : memref<16x128xf32, #tpu.memory_space<vmem>>, vector<16xf32>,
    %select_n3A_160 = arith.select %lt3A_155, %get3A_159, %broadcast_in_dim3A_1 : vector<16xi1>, vector<16xf32>
    %add3A_161 = arith.addf %add3A_151, %select_n3A_160 : vector<16xf32>
    %broadcast_in_dim3A_162 = arith.constant 7 : i32
    %broadcast_in_dim3A_163 = vector.broadcast %broadcast_in_dim3A_162 : i32 to vector<16xi32>
    %lt3A_164 = vector.broadcast %arg1 : i32 to vector<16xi32>
    %lt3A_165 = arith.cmpi slt, %broadcast_in_dim3A_163, %lt3A_164 : vector<16xi32>
    %get3A_166 = arith.constant 7 : i32
    %get3A_167 = arith.index_cast %get3A_166 : i32 to index
    %get3A_168 = arith.constant 0 : index
    %get3A_169 = tpu.vector_load %arg16[%get3A_167, %get3A_168] {strides = array<i32>} : memref<16x128xf32, #tpu.memory_space<vmem>>, vector<16xf32>,
    %select_n3A_170 = arith.select %lt3A_165, %get3A_169, %broadcast_in_dim3A_1 : vector<16xi1>, vector<16xf32>
    %add3A_171 = arith.addf %add3A_161, %select_n3A_170 : vector<16xf32>
    %broadcast_in_dim3A_172 = arith.constant 8 : i32
    %broadcast_in_dim3A_173 = vector.broadcast %broadcast_in_dim3A_172 : i32 to vector<16xi32>
    %lt3A_174 = vector.broadcast %arg1 : i32 to vector<16xi32>
    %lt3A_175 = arith.cmpi slt, %broadcast_in_dim3A_173, %lt3A_174 : vector<16xi32>
    %get3A_176 = arith.constant 8 : i32
    %get3A_177 = arith.index_cast %get3A_176 : i32 to index
    %get3A_178 = arith.constant 0 : index
    %get3A_179 = tpu.vector_load %arg16[%get3A_177, %get3A_178] {strides = array<i32>} : memref<16x128xf32, #tpu.memory_space<vmem>>, vector<16xf32>,
    %select_n3A_180 = arith.select %lt3A_175, %get3A_179, %broadcast_in_dim3A_1 : vector<16xi1>, vector<16xf32>
    %add3A_181 = arith.addf %add3A_171, %select_n3A_180 : vector<16xf32>
    %broadcast_in_dim3A_182 = arith.constant 9 : i32
    %broadcast_in_dim3A_183 = vector.broadcast %broadcast_in_dim3A_182 : i32 to vector<16xi32>
    %lt3A_184 = vector.broadcast %arg1 : i32 to vector<16xi32>
    %lt3A_185 = arith.cmpi slt, %broadcast_in_dim3A_183, %lt3A_184 : vector<16xi32>
    %get3A_186 = arith.constant 9 : i32
    %get3A_187 = arith.index_cast %get3A_186 : i32 to index
    %get3A_188 = arith.constant 0 : index
    %get3A_189 = tpu.vector_load %arg16[%get3A_187, %get3A_188] {strides = array<i32>} : memref<16x128xf32, #tpu.memory_space<vmem>>, vector<16xf32>,
    %select_n3A_190 = arith.select %lt3A_185, %get3A_189, %broadcast_in_dim3A_1 : vector<16xi1>, vector<16xf32>
    %add3A_191 = arith.addf %add3A_181, %select_n3A_190 : vector<16xf32>
    %broadcast_in_dim3A_192 = arith.constant 10 : i32
    %broadcast_in_dim3A_193 = vector.broadcast %broadcast_in_dim3A_192 : i32 to vector<16xi32>
    %lt3A_194 = vector.broadcast %arg1 : i32 to vector<16xi32>
    %lt3A_195 = arith.cmpi slt, %broadcast_in_dim3A_193, %lt3A_194 : vector<16xi32>
    %get3A_196 = arith.constant 10 : i32
    %get3A_197 = arith.index_cast %get3A_196 : i32 to index
    %get3A_198 = arith.constant 0 : index
    %get3A_199 = tpu.vector_load %arg16[%get3A_197, %get3A_198] {strides = array<i32>} : memref<16x128xf32, #tpu.memory_space<vmem>>, vector<16xf32>,
    %select_n3A_200 = arith.select %lt3A_195, %get3A_199, %broadcast_in_dim3A_1 : vector<16xi1>, vector<16xf32>
    %add3A_201 = arith.addf %add3A_191, %select_n3A_200 : vector<16xf32>
    %broadcast_in_dim3A_202 = arith.constant 11 : i32
    %broadcast_in_dim3A_203 = vector.broadcast %broadcast_in_dim3A_202 : i32 to vector<16xi32>
    %lt3A_204 = vector.broadcast %arg1 : i32 to vector<16xi32>
    %lt3A_205 = arith.cmpi slt, %broadcast_in_dim3A_203, %lt3A_204 : vector<16xi32>
    %get3A_206 = arith.constant 11 : i32
    %get3A_207 = arith.index_cast %get3A_206 : i32 to index
    %get3A_208 = arith.constant 0 : index
    %get3A_209 = tpu.vector_load %arg16[%get3A_207, %get3A_208] {strides = array<i32>} : memref<16x128xf32, #tpu.memory_space<vmem>>, vector<16xf32>,
    %select_n3A_210 = arith.select %lt3A_205, %get3A_209, %broadcast_in_dim3A_1 : vector<16xi1>, vector<16xf32>
    %add3A_211 = arith.addf %add3A_201, %select_n3A_210 : vector<16xf32>
    %broadcast_in_dim3A_212 = arith.constant 12 : i32
    %broadcast_in_dim3A_213 = vector.broadcast %broadcast_in_dim3A_212 : i32 to vector<16xi32>
    %lt3A_214 = vector.broadcast %arg1 : i32 to vector<16xi32>
    %lt3A_215 = arith.cmpi slt, %broadcast_in_dim3A_213, %lt3A_214 : vector<16xi32>
    %get3A_216 = arith.constant 12 : i32
    %get3A_217 = arith.index_cast %get3A_216 : i32 to index
    %get3A_218 = arith.constant 0 : index
    %get3A_219 = tpu.vector_load %arg16[%get3A_217, %get3A_218] {strides = array<i32>} : memref<16x128xf32, #tpu.memory_space<vmem>>, vector<16xf32>,
    %select_n3A_220 = arith.select %lt3A_215, %get3A_219, %broadcast_in_dim3A_1 : vector<16xi1>, vector<16xf32>
    %add3A_221 = arith.addf %add3A_211, %select_n3A_220 : vector<16xf32>
    %broadcast_in_dim3A_222 = arith.constant 13 : i32
    %broadcast_in_dim3A_223 = vector.broadcast %broadcast_in_dim3A_222 : i32 to vector<16xi32>
    %lt3A_224 = vector.broadcast %arg1 : i32 to vector<16xi32>
    %lt3A_225 = arith.cmpi slt, %broadcast_in_dim3A_223, %lt3A_224 : vector<16xi32>
    %get3A_226 = arith.constant 13 : i32
    %get3A_227 = arith.index_cast %get3A_226 : i32 to index
    %get3A_228 = arith.constant 0 : index
    %get3A_229 = tpu.vector_load %arg16[%get3A_227, %get3A_228] {strides = array<i32>} : memref<16x128xf32, #tpu.memory_space<vmem>>, vector<16xf32>,
    %select_n3A_230 = arith.select %lt3A_225, %get3A_229, %broadcast_in_dim3A_1 : vector<16xi1>, vector<16xf32>
    %add3A_231 = arith.addf %add3A_221, %select_n3A_230 : vector<16xf32>
    %broadcast_in_dim3A_232 = arith.constant 14 : i32
    %broadcast_in_dim3A_233 = vector.broadcast %broadcast_in_dim3A_232 : i32 to vector<16xi32>
    %lt3A_234 = vector.broadcast %arg1 : i32 to vector<16xi32>
    %lt3A_235 = arith.cmpi slt, %broadcast_in_dim3A_233, %lt3A_234 : vector<16xi32>
    %get3A_236 = arith.constant 14 : i32
    %get3A_237 = arith.index_cast %get3A_236 : i32 to index
    %get3A_238 = arith.constant 0 : index
    %get3A_239 = tpu.vector_load %arg16[%get3A_237, %get3A_238] {strides = array<i32>} : memref<16x128xf32, #tpu.memory_space<vmem>>, vector<16xf32>,
    %select_n3A_240 = arith.select %lt3A_235, %get3A_239, %broadcast_in_dim3A_1 : vector<16xi1>, vector<16xf32>
    %add3A_241 = arith.addf %add3A_231, %select_n3A_240 : vector<16xf32>
    %reduce_sum3A_242 = arith.constant true
    %reduce_sum3A_243 = vector.broadcast %reduce_sum3A_242 : i1 to vector<16xi1>
    %reduce_sum3A_244 = tpu.scan <sum>, %add3A_241 masked %reduce_sum3A_243 : vector<16xf32>, vector<16xi1> -> vector<16xf32>
    %reduce_sum3A_245 = vector.extract %reduce_sum3A_244[15] : f32 from vector<16xf32>
    %mul3A_246 = arith.constant 6.250000e-02 : f32
    %mul3A_247 = arith.mulf %reduce_sum3A_245, %mul3A_246 : f32
    %scan3A_248 = arith.constant 0 : i32
    %mul3A_249 = arith.constant 4096 : i32
    %mul3A_250 = arith.muli %arg1, %mul3A_249 : i32
    %mul3A_251 = arith.constant 4096 : i32
    %mul3A_252 = arith.muli %scan3A_248, %mul3A_251 : i32
    %add3A_253 = arith.addi %mul3A_250, %mul3A_252 : i32
    "tpu.region"() ({
      %run_scoped3A = tpu.sem_alloc : memref<!tpu.dma_semaphore, #tpu.memory_space<semaphore_mem>>
      %dma_start3A_274 = tpu.memref_slice %arg17[%add3A_253] : memref<65536xf32, #tpu.memory_space<vmem_shared>> -> memref<4096xf32, #tpu.memory_space<vmem_shared>>
      %dma_start3A_275 = tpu.memref_slice %arg17[%add3A_253] : memref<65536xf32, #tpu.memory_space<vmem_shared>> -> memref<4096xf32, #tpu.memory_space<vmem_shared>>
      tpu.enqueue_dma source(%dma_start3A_275 : memref<4096xf32, #tpu.memory_space<vmem_shared>>) target(%arg12 : memref<4096xf32, #tpu.memory_space<vmem>>) target_semaphore(%run_scoped3A : memref<!tpu.dma_semaphore, #tpu.memory_space<semaphore_mem>>)
      %dma_wait3A_276 = tpu.memref_slice %arg17[%add3A_253] : memref<65536xf32, #tpu.memory_space<vmem_shared>> -> memref<4096xf32, #tpu.memory_space<vmem_shared>>
      %dma_wait3A_277 = tpu.memref_slice %arg17[%add3A_253] : memref<65536xf32, #tpu.memory_space<vmem_shared>> -> memref<4096xf32, #tpu.memory_space<vmem_shared>>
      tpu.wait_dma2 semaphore(%run_scoped3A : memref<!tpu.dma_semaphore, #tpu.memory_space<semaphore_mem>>) src(%dma_wait3A_277 : memref<4096xf32, #tpu.memory_space<vmem_shared>>) dst(%arg12 : memref<4096xf32, #tpu.memory_space<vmem>>)
      tpu.yield
    }) : () -> ()
    %scan3A_254 = arith.constant 0 : i32
    %scan3A_255 = arith.constant 256 : i32
    %scan3A_256 = arith.addi %scan3A_254, %scan3A_255 : i32
    %scan3A_257 = arith.constant 1 : i32
    %scan3A_258 = scf.for %scan3A_274 = %scan3A_254 to %scan3A_256 step %scan3A_257 iter_args(%scan3A_275 = %mul3A_247) -> (f32)  : i32 {
      %mul3A_276 = arith.constant 16 : i32
      %mul3A_277 = arith.muli %scan3A_274, %mul3A_276 : i32
      %get3A_278 = arith.index_cast %mul3A_277 : i32 to index
      %get3A_279 = tpu.vector_load %arg12[%get3A_278] {strides = array<i32>} : memref<4096xf32, #tpu.memory_space<vmem>>, vector<16xf32>,
      %broadcast_in_dim3A_280 = arith.constant true
      %broadcast_in_dim3A_281 = vector.broadcast %broadcast_in_dim3A_280 : i1 to vector<16xi1>
      %masked_cumsum3A = tpu.scan <sum>, %get3A_279 masked %broadcast_in_dim3A_281 : vector<16xf32>, vector<16xi1> -> vector<16xf32>
      %add3A_282 = vector.broadcast %scan3A_275 : f32 to vector<16xf32>
      %add3A_283 = arith.addf %masked_cumsum3A, %add3A_282 : vector<16xf32>
      %add3A_284 = arith.constant 1.000000e+00 : f32
      %add3A_285 = vector.broadcast %add3A_284 : f32 to vector<16xf32>
      %add3A_286 = arith.addf %get3A_279, %add3A_285 : vector<16xf32>
      %mul3A_287 = arith.constant 5.000000e-01 : f32
      %mul3A_288 = vector.broadcast %mul3A_287 : f32 to vector<16xf32>
      %mul3A_289 = arith.mulf %add3A_286, %mul3A_288 : vector<16xf32>
      %sub3A = arith.subf %add3A_283, %mul3A_289 : vector<16xf32>
      %mul3A_290 = arith.constant 16 : i32
      %mul3A_291 = arith.muli %scan3A_274, %mul3A_290 : i32
      %swap3A_292 = arith.index_cast %mul3A_291 : i32 to index
      %swap3A_293 = tpu.vector_load %arg13[%swap3A_292] {strides = array<i32>} : memref<4096xf32, #tpu.memory_space<vmem>>, vector<16xf32>,
      tpu.vector_store %arg13[%swap3A_292], %sub3A {strides = array<i32>} : memref<4096xf32, #tpu.memory_space<vmem>>, vector<16xf32>,
      %reduce_sum3A_294 = arith.constant true
      %reduce_sum3A_295 = vector.broadcast %reduce_sum3A_294 : i1 to vector<16xi1>
      %reduce_sum3A_296 = tpu.scan <sum>, %get3A_279 masked %reduce_sum3A_295 : vector<16xf32>, vector<16xi1> -> vector<16xf32>
      %reduce_sum3A_297 = vector.extract %reduce_sum3A_296[15] : f32 from vector<16xf32>
      %add3A_298 = arith.addf %scan3A_275, %reduce_sum3A_297 : f32
      scf.yield %add3A_298 : f32
    }
    %scan3A_259 = arith.constant 256 : i32
    "tpu.region"() ({
      %run_scoped3A = tpu.sem_alloc : memref<!tpu.dma_semaphore, #tpu.memory_space<semaphore_mem>>
      %dma_start3A_274 = tpu.memref_slice %arg17[%add3A_253] : memref<65536xf32, #tpu.memory_space<vmem_shared>> -> memref<4096xf32, #tpu.memory_space<vmem_shared>>
      %dma_start3A_275 = tpu.memref_slice %arg17[%add3A_253] : memref<65536xf32, #tpu.memory_space<vmem_shared>> -> memref<4096xf32, #tpu.memory_space<vmem_shared>>
      tpu.enqueue_dma source(%arg13 : memref<4096xf32, #tpu.memory_space<vmem>>) target(%dma_start3A_275 : memref<4096xf32, #tpu.memory_space<vmem_shared>>) target_semaphore(%run_scoped3A : memref<!tpu.dma_semaphore, #tpu.memory_space<semaphore_mem>>)
      %dma_wait3A_276 = tpu.memref_slice %arg17[%add3A_253] : memref<65536xf32, #tpu.memory_space<vmem_shared>> -> memref<4096xf32, #tpu.memory_space<vmem_shared>>
      %dma_wait3A_277 = tpu.memref_slice %arg17[%add3A_253] : memref<65536xf32, #tpu.memory_space<vmem_shared>> -> memref<4096xf32, #tpu.memory_space<vmem_shared>>
      tpu.wait_dma2 semaphore(%run_scoped3A : memref<!tpu.dma_semaphore, #tpu.memory_space<semaphore_mem>>) src(%arg13 : memref<4096xf32, #tpu.memory_space<vmem>>) dst(%dma_wait3A_277 : memref<4096xf32, #tpu.memory_space<vmem_shared>>)
      tpu.yield
    }) : () -> ()
    %scan3A_260 = arith.constant 1 : i32
    %barrier3A_261 = arith.constant 0 : index
    tpu.barrier barrier_id(%barrier3A_261)
    %scan3A_262 = arith.constant 0 : i32
    %scan3A_263 = arith.constant 0 : i32
    %scan3A_264 = arith.constant 4 : i32
    %scan3A_265 = arith.addi %scan3A_263, %scan3A_264 : i32
    %scan3A_266 = arith.constant 1 : i32
    scf.for %scan3A_274 = %scan3A_263 to %scan3A_265 step %scan3A_266  : i32 {
      %mul3A_275 = arith.constant 2 : i32
      %mul3A_276 = arith.muli %mul3A_275, %scan3A_274 : i32
      %mul3A_277 = arith.constant 8192 : i32
      %mul3A_278 = arith.muli %mul3A_276, %mul3A_277 : i32
      %dma_start3A_279 = tpu.memref_slice %arg6[%mul3A_278] : memref<65536xi32, #tpu.memory_space<vmem>> -> memref<8192xi32, #tpu.memory_space<vmem>>
      %dma_start3A_280 = arith.constant 0 : i32
      %dma_start3A_281 = tpu.memref_slice %arg17[%dma_start3A_280] : memref<65536xf32, #tpu.memory_space<vmem_shared>> -> memref<65536xf32, #tpu.memory_space<vmem_shared>>
      tpu.enqueue_indirect_dma source(%dma_start3A_281 : memref<65536xf32, #tpu.memory_space<vmem_shared>>) target(%arg10 : memref<8192xf32, #tpu.memory_space<vmem>>) offsets(%dma_start3A_279 : memref<8192xi32, #tpu.memory_space<vmem>>) semaphore(%arg19 : memref<!tpu.dma_semaphore, #tpu.memory_space<semaphore_mem>>)
      %dma_wait3A_282 = tpu.memref_slice %arg6[%mul3A_278] : memref<65536xi32, #tpu.memory_space<vmem>> -> memref<8192xi32, #tpu.memory_space<vmem>>
      %dma_wait3A_283 = arith.constant 0 : i32
      %dma_wait3A_284 = tpu.memref_slice %arg17[%dma_wait3A_283] : memref<65536xf32, #tpu.memory_space<vmem_shared>> -> memref<65536xf32, #tpu.memory_space<vmem_shared>>
      tpu.wait_indirect_dma semaphore(%arg19 : memref<!tpu.dma_semaphore, #tpu.memory_space<semaphore_mem>>) src(%dma_wait3A_284 : memref<65536xf32, #tpu.memory_space<vmem_shared>>) dst(%arg10 : memref<8192xf32, #tpu.memory_space<vmem>>)
      %ne3A = arith.constant 0 : i32
      %ne3A_285 = arith.cmpi ne, %scan3A_274, %ne3A : i32
      %convert_element_type3A = arith.extui %ne3A_285 : i1 to i32
      %cond3A = arith.constant 0 : i32
      %cond3A_286 = arith.cmpi ne, %convert_element_type3A, %cond3A : i32
      scf.if %cond3A_286 {
        %sub3A = arith.constant 1 : i32
        %sub3A_320 = arith.subi %mul3A_276, %sub3A : i32
        %mul3A_321 = arith.constant 8192 : i32
        %mul3A_322 = arith.muli %sub3A_320, %mul3A_321 : i32
        %add3A_323 = arith.addi %mul3A_0, %mul3A_322 : i32
        %dma_wait3A_324 = tpu.memref_slice %arg3[%arg0, %add3A_323] : memref<2x1048576xf32, #tpu.memory_space<hbm>> -> memref<1x8192xf32, #tpu.memory_space<hbm>>
        %dma_wait3A_325 = tpu.memref_squeeze %dma_wait3A_324 : memref<1x8192xf32, #tpu.memory_space<hbm>> -> memref<8192xf32, #tpu.memory_space<hbm>>
        %dma_wait3A_326 = tpu.memref_slice %arg3[%arg0, %add3A_323] : memref<2x1048576xf32, #tpu.memory_space<hbm>> -> memref<1x8192xf32, #tpu.memory_space<hbm>>
        %dma_wait3A_327 = tpu.memref_squeeze %dma_wait3A_326 : memref<1x8192xf32, #tpu.memory_space<hbm>> -> memref<8192xf32, #tpu.memory_space<hbm>>
        tpu.wait_dma2 semaphore(%arg22 : memref<!tpu.dma_semaphore, #tpu.memory_space<semaphore_mem>>) src(%arg11 : memref<8192xf32, #tpu.memory_space<vmem>>) dst(%dma_wait3A_327 : memref<8192xf32, #tpu.memory_space<hbm>>)
      } else {
      }
      %mul3A_287 = arith.constant 8192 : i32
      %mul3A_288 = arith.muli %mul3A_276, %mul3A_287 : i32
      %add3A_289 = arith.addi %mul3A_0, %mul3A_288 : i32
      %dma_start3A_290 = tpu.memref_slice %arg3[%arg0, %add3A_289] : memref<2x1048576xf32, #tpu.memory_space<hbm>> -> memref<1x8192xf32, #tpu.memory_space<hbm>>
      %dma_start3A_291 = tpu.memref_squeeze %dma_start3A_290 : memref<1x8192xf32, #tpu.memory_space<hbm>> -> memref<8192xf32, #tpu.memory_space<hbm>>
      %dma_start3A_292 = tpu.memref_slice %arg3[%arg0, %add3A_289] : memref<2x1048576xf32, #tpu.memory_space<hbm>> -> memref<1x8192xf32, #tpu.memory_space<hbm>>
      %dma_start3A_293 = tpu.memref_squeeze %dma_start3A_292 : memref<1x8192xf32, #tpu.memory_space<hbm>> -> memref<8192xf32, #tpu.memory_space<hbm>>
      tpu.enqueue_dma source(%arg10 : memref<8192xf32, #tpu.memory_space<vmem>>) target(%dma_start3A_293 : memref<8192xf32, #tpu.memory_space<hbm>>) target_semaphore(%arg22 : memref<!tpu.dma_semaphore, #tpu.memory_space<semaphore_mem>>)
      %add3A_294 = arith.constant 1 : i32
      %add3A_295 = arith.addi %mul3A_276, %add3A_294 : i32
      %mul3A_296 = arith.constant 8192 : i32
      %mul3A_297 = arith.muli %add3A_295, %mul3A_296 : i32
      %dma_start3A_298 = tpu.memref_slice %arg6[%mul3A_297] : memref<65536xi32, #tpu.memory_space<vmem>> -> memref<8192xi32, #tpu.memory_space<vmem>>
      %dma_start3A_299 = arith.constant 0 : i32
      %dma_start3A_300 = tpu.memref_slice %arg17[%dma_start3A_299] : memref<65536xf32, #tpu.memory_space<vmem_shared>> -> memref<65536xf32, #tpu.memory_space<vmem_shared>>
      tpu.enqueue_indirect_dma source(%dma_start3A_300 : memref<65536xf32, #tpu.memory_space<vmem_shared>>) target(%arg11 : memref<8192xf32, #tpu.memory_space<vmem>>) offsets(%dma_start3A_298 : memref<8192xi32, #tpu.memory_space<vmem>>) semaphore(%arg19 : memref<!tpu.dma_semaphore, #tpu.memory_space<semaphore_mem>>)
      %dma_wait3A_301 = tpu.memref_slice %arg6[%mul3A_297] : memref<65536xi32, #tpu.memory_space<vmem>> -> memref<8192xi32, #tpu.memory_space<vmem>>
      %dma_wait3A_302 = arith.constant 0 : i32
      %dma_wait3A_303 = tpu.memref_slice %arg17[%dma_wait3A_302] : memref<65536xf32, #tpu.memory_space<vmem_shared>> -> memref<65536xf32, #tpu.memory_space<vmem_shared>>
      tpu.wait_indirect_dma semaphore(%arg19 : memref<!tpu.dma_semaphore, #tpu.memory_space<semaphore_mem>>) src(%dma_wait3A_303 : memref<65536xf32, #tpu.memory_space<vmem_shared>>) dst(%arg11 : memref<8192xf32, #tpu.memory_space<vmem>>)
      %mul3A_304 = arith.constant 8192 : i32
      %mul3A_305 = arith.muli %mul3A_276, %mul3A_304 : i32
      %add3A_306 = arith.addi %mul3A_0, %mul3A_305 : i32
      %dma_wait3A_307 = tpu.memref_slice %arg3[%arg0, %add3A_306] : memref<2x1048576xf32, #tpu.memory_space<hbm>> -> memref<1x8192xf32, #tpu.memory_space<hbm>>
      %dma_wait3A_308 = tpu.memref_squeeze %dma_wait3A_307 : memref<1x8192xf32, #tpu.memory_space<hbm>> -> memref<8192xf32, #tpu.memory_space<hbm>>
      %dma_wait3A_309 = tpu.memref_slice %arg3[%arg0, %add3A_306] : memref<2x1048576xf32, #tpu.memory_space<hbm>> -> memref<1x8192xf32, #tpu.memory_space<hbm>>
      %dma_wait3A_310 = tpu.memref_squeeze %dma_wait3A_309 : memref<1x8192xf32, #tpu.memory_space<hbm>> -> memref<8192xf32, #tpu.memory_space<hbm>>
      tpu.wait_dma2 semaphore(%arg22 : memref<!tpu.dma_semaphore, #tpu.memory_space<semaphore_mem>>) src(%arg10 : memref<8192xf32, #tpu.memory_space<vmem>>) dst(%dma_wait3A_310 : memref<8192xf32, #tpu.memory_space<hbm>>)
      %add3A_311 = arith.constant 1 : i32
      %add3A_312 = arith.addi %mul3A_276, %add3A_311 : i32
      %mul3A_313 = arith.constant 8192 : i32
      %mul3A_314 = arith.muli %add3A_312, %mul3A_313 : i32
      %add3A_315 = arith.addi %mul3A_0, %mul3A_314 : i32
      %dma_start3A_316 = tpu.memref_slice %arg3[%arg0, %add3A_315] : memref<2x1048576xf32, #tpu.memory_space<hbm>> -> memref<1x8192xf32, #tpu.memory_space<hbm>>
      %dma_start3A_317 = tpu.memref_squeeze %dma_start3A_316 : memref<1x8192xf32, #tpu.memory_space<hbm>> -> memref<8192xf32, #tpu.memory_space<hbm>>
      %dma_start3A_318 = tpu.memref_slice %arg3[%arg0, %add3A_315] : memref<2x1048576xf32, #tpu.memory_space<hbm>> -> memref<1x8192xf32, #tpu.memory_space<hbm>>
      %dma_start3A_319 = tpu.memref_squeeze %dma_start3A_318 : memref<1x8192xf32, #tpu.memory_space<hbm>> -> memref<8192xf32, #tpu.memory_space<hbm>>
      tpu.enqueue_dma source(%arg11 : memref<8192xf32, #tpu.memory_space<vmem>>) target(%dma_start3A_319 : memref<8192xf32, #tpu.memory_space<hbm>>) target_semaphore(%arg22 : memref<!tpu.dma_semaphore, #tpu.memory_space<semaphore_mem>>)
    }
    %scan3A_267 = arith.constant 4 : i32
    %add3A_268 = arith.constant 57344 : i32
    %add3A_269 = arith.addi %mul3A_0, %add3A_268 : i32
    %dma_wait3A_270 = tpu.memref_slice %arg3[%arg0, %add3A_269] : memref<2x1048576xf32, #tpu.memory_space<hbm>> -> memref<1x8192xf32, #tpu.memory_space<hbm>>
    %dma_wait3A_271 = tpu.memref_squeeze %dma_wait3A_270 : memref<1x8192xf32, #tpu.memory_space<hbm>> -> memref<8192xf32, #tpu.memory_space<hbm>>
    %dma_wait3A_272 = tpu.memref_slice %arg3[%arg0, %add3A_269] : memref<2x1048576xf32, #tpu.memory_space<hbm>> -> memref<1x8192xf32, #tpu.memory_space<hbm>>
    %dma_wait3A_273 = tpu.memref_squeeze %dma_wait3A_272 : memref<1x8192xf32, #tpu.memory_space<hbm>> -> memref<8192xf32, #tpu.memory_space<hbm>>
    tpu.wait_dma2 semaphore(%arg22 : memref<!tpu.dma_semaphore, #tpu.memory_space<semaphore_mem>>) src(%arg11 : memref<8192xf32, #tpu.memory_space<vmem>>) dst(%dma_wait3A_273 : memref<8192xf32, #tpu.memory_space<hbm>>)
    return
  }
}

module attributes {stable_mosaic.version = 14 : i64} {
  func.func @_tc_body(%arg0: memref<1024x1024xf32, #tpu.memory_space<vmem>>, %arg1: memref<1024x1024xf32, #tpu.memory_space<vmem>>, %arg2: memref<1x1xf32, #tpu.memory_space<smem>>) attributes {dimension_semantics = [], scalar_prefetch = 0 : i64, scratch_operands = 0 : i64, tpu.core_type = #tpu.core_type<tc>} {
    %get3A = arith.constant 0 : index
    %get3A_0 = arith.constant 0 : index
    %get3A_1 = vector.load %arg0[%get3A, %get3A_0] : memref<1024x1024xf32, #tpu.memory_space<vmem>>, vector<1024x1024xf32>
    %sub3A = arith.constant 524287.5 : f32
    %sub3A_2 = vector.broadcast %sub3A : f32 to vector<1024x1024xf32>
    %sub3A_3 = arith.subf %get3A_1, %sub3A_2 : vector<1024x1024xf32>
    %get3A_4 = arith.constant 0 : index
    %get3A_5 = arith.constant 0 : index
    %get3A_6 = vector.load %arg1[%get3A_4, %get3A_5] : memref<1024x1024xf32, #tpu.memory_space<vmem>>, vector<1024x1024xf32>
    %sub3A_7 = arith.constant 524287.5 : f32
    %sub3A_8 = vector.broadcast %sub3A_7 : f32 to vector<1024x1024xf32>
    %sub3A_9 = arith.subf %get3A_6, %sub3A_8 : vector<1024x1024xf32>
    %mul3A = arith.mulf %sub3A_3, %sub3A_9 : vector<1024x1024xf32>
    %reduce_sum3A = arith.constant dense<0.000000e+00> : vector<1024xf32>
    %reduce_sum3A_10 = vector.multi_reduction <add>, %mul3A, %reduce_sum3A [1] : vector<1024x1024xf32> to vector<1024xf32>
    %reduce_sum3A_11 = vector.shape_cast %reduce_sum3A_10 : vector<1024xf32> to vector<1x1024xf32>
    %reduce_sum3A_12 = arith.constant dense<0.000000e+00> : vector<1xf32>
    %reduce_sum3A_13 = vector.multi_reduction <add>, %reduce_sum3A_11, %reduce_sum3A_12 [1] : vector<1x1024xf32> to vector<1xf32>
    %reduce_sum3A_14 = vector.shape_cast %reduce_sum3A_13 : vector<1xf32> to vector<1x1xf32>
    %reduce_sum3A_15 = vector.extract %reduce_sum3A_14[0, 0] : f32 from vector<1x1xf32>
    %div3A = arith.constant 9.60767949E+16 : f32
    %div3A_16 = arith.divf %reduce_sum3A_15, %div3A : f32
    %sub3A_17 = arith.constant 1.000000e+00 : f32
    %sub3A_18 = arith.subf %sub3A_17, %div3A_16 : f32
    %swap3A = arith.constant 0 : index
    %swap3A_19 = arith.constant 0 : index
    %swap3A_20 = memref.load %arg2[%swap3A, %swap3A_19] : memref<1x1xf32, #tpu.memory_space<smem>>
    memref.store %sub3A_18, %arg2[%swap3A, %swap3A_19] : memref<1x1xf32, #tpu.memory_space<smem>>
    return
  }
}

</mosaic_0001>

<sc_bundles>
// kernel: kernel.4.cloned.1.call-start
scs
__scs_entry_jumppad:
0x0: {  	(pc) =	sbr.rel $0x88, $3  }
0x1: {  	(tag) =	ssettag $0x0;
	lr =	simm.s32 $0x1  }
0x2: {  	[smem:$0x3F9F] =	sst lr;
	_ =	strace $0xD0000000  }
0x3: {  	_ = 	snop  }
0x4: {  	_ = 	snop  }
0x5: {  	_ = 	snop  }
0x6: {  	_ = 	snop  }
0x7: {  	_ = 	snop  }
__scs_overlays_trampoline_lowered:
0x8: {  	[smem:$0x3FAE] =	sst s0  }
0x9: {  	[smem:$0x3FAF] =	sst s1  }
0xa: {  	[smem:$0x3FB0] =	sst s2  }
0xb: {  	[smem:$0x3FB1] =	sst s3  }
0xc: {  	[smem:$0x3FB2] =	sst s4  }
0xd: {  	[smem:$0x3FB3] =	sst s5  }
0xe: {  	[smem:$0x3FB4] =	sst s6  }
0xf: {  	[smem:$0x3FB5] =	sst s7  }
0x10: {  	[smem:$0x3FB6] =	sst s8  }
0x11: {  	[smem:$0x3FB7] =	sst s9;
	s0 =	simm.s32 @!p0 $0x0  }
0x12: {  	s1 =	sld [smem:$0x3F9D];
	s0 =	simm.s32 @p0 $0x1  }
0x13: {  	[smem:$0x3FB8] =	sst s0;
	s0 =	simm.s32 @!p1 $0x0  }
0x14: {  	s2 =	sld [smem:$0x3F9C];
	s0 =	simm.s32 @p1 $0x1  }
0x15: {  	[smem:$0x3FB9] =	sst s0;
	s0 =	simm.s32 @!p2 $0x0  }
0x16: {  	s3 =	sld [smem:$0x3FDB];
	s0 =	simm.s32 @p2 $0x1  }
0x17: {  	s4 =	simm.s32 $0x1BF5;
	[smem:$0x3FBB] =	sst s0  }
0x18: {  	s0 =	sld [smem:$0x3F9E];
	_ =	swait.ge [sflag:s4], $0x0  }
0x19: {  	s7 =	sld [smem:$0x3F9F]  }
0x1a: {  	s8 =	sadd.s32 $0xFFFFE003, lr  }
0x1b: {  	s9 =	sadd.s32 $0xFFFFFEF7, lr;
	s5 =	simm.s32 $0xFFFFFFFF;
	p2 =	slt.u32 s8, $0xFFFFF086  }
0x1c: {  	p1 =	slt.u32 s9, $0xF7A;
	s5 =	simm.s32 @!p2 $0x0  }
0x1d: {  	s5 =	simm.s32 @p1 $0x1;
	p0 =	seq.s32 s7, s2  }
0x1e: {  	s7 =	smul.u32 @!p0 $0xF7A, s2;
	p2 =	seq.s32 @!p0 s5, $0x0  }
0x1f: {  	s9 =	smul.u32 $0xF7A, s1;
	s8 =	simm.s32 @!p0 $0x1BF5;
	p2 =	por !p2, p0  }
0x20: {  	[sflag:s8] =	ssyncset.s32 @!p0 $0xFFFFF086;
	s6 =	sadd.s32 @!p0 s3, s7;
	s7 =	simm.s32 @!p0 $0x108  }
0x21: {  	s3 =	sadd.s32 s3, s9;
	s6 =	sadd.s32 @!p0 $0x88, s6;
	s7 =	simm.s32 @p2 $0x1082  }
0x22: {  	[simem:s7], [sflag:s8] =	dma.local @!p0 [hbm:s6], $0xF7A  }
0x23: {  	s9 =	sor.u32 $0xD0000000, s2;
	s6 =	simm.s32 $0x108;
	_ =	swait.ge @!p0 [sflag:s8], $0x0  }
0x24: {  	s3 =	sadd.s32 $0x88, s3;
	s6 =	simm.s32 @!p1 $0x1082;
	[sflag:s4] =	ssyncset.s32 $0xFFFFF086  }
0x25: {  	[simem:s6], [sflag:s4] =	dma.local [hbm:s3], $0xF7A  }
0x26: {  	[smem:$0x3F9F] =	sst s1;
	(tag) =	ssettag s2;
	_ =	strace s9  }
0x27: {  	s1 =	sld [smem:$0x3FAF]  }
0x28: {  	s2 =	sld [smem:$0x3FB0]  }
0x29: {  	s4 =	sld [smem:$0x3FB2]  }
0x2a: {  	p0 =	seq.s32 s5, $0x0;
	s5 =	sld [smem:$0x3FB3]  }
0x2b: {  	s6 =	sld [smem:$0x3FB4]  }
0x2c: {  	s7 =	sld [smem:$0x3FB5]  }
0x2d: {  	s3 =	simm.s32 $0x108;
	s8 =	sld [smem:$0x3FB6]  }
0x2e: {  	s3 =	simm.s32 @!p0 $0x1082;
	s9 =	sld [smem:$0x3FB7]  }
0x2f: {  	lr =	sadd.s32 s0, s3;
	s0 =	sld [smem:$0x3FAE]  }
0x30: {  	s3 =	sld [smem:$0x3FB1]  }
0x31: {  	[smem:$0x3FBA] =	sst s10  }
0x32: {  	s10 =	sld [smem:$0x3FB8];
	_ =	sdelay $0x3  }
0x33: {  	p0 =	seq.s32 s10, $0x1;
	s10 =	sld [smem:$0x3FBA];
	_ =	sdelay $0x3  }
0x34: {  	[smem:$0x3FBA] =	sst s10  }
0x35: {  	s10 =	sld [smem:$0x3FB9];
	_ =	sdelay $0x3  }
0x36: {  	p1 =	seq.s32 s10, $0x1;
	s10 =	sld [smem:$0x3FBA];
	_ =	sdelay $0x3  }
0x37: {  	[smem:$0x3FBA] =	sst s10  }
0x38: {  	s10 =	sld [smem:$0x3FBB]  }
0x39: {  	_ = 	snop;
	(pc) =	sbr.ind lr, $3  }
0x3a: {  	_ = 	snop  }
0x3b: {  	_ = 	snop  }
0x3c: {  	p2 =	seq.s32 s10, $0x1;
	s10 =	sld [smem:$0x3FBA]  }
0x3d: {  	_ =	shalt  }
0x3e: {  	_ =	shalt  }
0x3f: {  	_ =	shalt  }
0x40: {  	_ =	shalt  }
0x41: {  	_ =	shalt  }
0x42: {  	_ =	shalt  }
0x43: {  	_ =	shalt  }
0x44: {  	_ =	shalt  }
0x45: {  	_ =	shalt  }
0x46: {  	_ =	shalt  }
0x47: {  	_ =	shalt  }
0x48: {  	_ =	shalt  }
0x49: {  	_ =	shalt  }
0x4a: {  	_ =	shalt  }
0x4b: {  	_ =	shalt  }
0x4c: {  	_ =	shalt  }
0x4d: {  	_ =	shalt  }
0x4e: {  	_ =	shalt  }
0x4f: {  	_ =	shalt  }
0x50: {  	_ =	shalt  }
0x51: {  	_ =	shalt  }
0x52: {  	_ =	shalt  }
0x53: {  	_ =	shalt  }
0x54: {  	_ =	shalt  }
0x55: {  	_ =	shalt  }
0x56: {  	_ =	shalt  }
0x57: {  	_ =	shalt  }
0x58: {  	_ =	shalt  }
0x59: {  	_ =	shalt  }
0x5a: {  	_ =	shalt  }
0x5b: {  	_ =	shalt  }
0x5c: {  	_ =	shalt  }
0x5d: {  	_ =	shalt  }
0x5e: {  	_ =	shalt  }
0x5f: {  	_ =	shalt  }
0x60: {  	_ =	shalt  }
0x61: {  	_ =	shalt  }
0x62: {  	_ =	shalt  }
0x63: {  	_ =	shalt  }
0x64: {  	_ =	shalt  }
0x65: {  	_ =	shalt  }
0x66: {  	_ =	shalt  }
0x67: {  	_ =	shalt  }
0x68: {  	_ =	shalt  }
0x69: {  	_ =	shalt  }
0x6a: {  	_ =	shalt  }
0x6b: {  	_ =	shalt  }
0x6c: {  	_ =	shalt  }
0x6d: {  	_ =	shalt  }
0x6e: {  	_ =	shalt  }
0x6f: {  	_ =	shalt  }
0x70: {  	_ =	shalt  }
0x71: {  	_ =	shalt  }
0x72: {  	_ =	shalt  }
0x73: {  	_ =	shalt  }
0x74: {  	_ =	shalt  }
0x75: {  	_ =	shalt  }
0x76: {  	_ =	shalt  }
0x77: {  	_ =	shalt  }
0x78: {  	_ =	shalt  }
0x79: {  	_ =	shalt  }
0x7a: {  	_ =	shalt  }
0x7b: {  	_ =	shalt  }
0x7c: {  	_ =	shalt  }
0x7d: {  	_ =	shalt  }
0x7e: {  	_ =	shalt  }
0x7f: {  	_ =	shalt  }
0x80: {  	_ =	shalt  }
0x81: {  	_ =	shalt  }
0x82: {  	_ =	shalt  }
0x83: {  	_ =	shalt  }
0x84: {  	_ =	shalt  }
0x85: {  	_ =	shalt  }
0x86: {  	_ =	shalt  }
0x87: {  	_ =	shalt  }
.Lfunc_end0:
.L_simem_size_0:
called_computation_lowered:
.L_overlay_start_0:
0x88: {  	s2 =	sld [smem:$0x3FD9]  }
0x89: {  	s3 =	sld [smem:$0x3FFE];
	_ =	sdelay $0x1  }
0x8a: {  	s1 =	srdreg.scid  }
0x8b: {  	s0 =	sand.u32 $0x1, s1  }
0x8c: {  	s16 =	sshll.u32 s0, $0xA;
	s2 =	sadd.s32 s3, s2  }
0x8d: {  	s2 =	sadd.s32 s2, s16  }
0x8e: {  	[smem:$0x3FC6] =	sst s2  }
0x8f: {  	_ = 	snop  }
0x90: {  	(tm) =	ssettm $0x1  }
0x91: {  	s17 =	sld [smem:$0x3FFB];
	_ =	sdelay $0x3  }
0x92: {  	_ =	strace s17  }
0x93: {  	s2 =	sld [smem:$0x3FFC];
	_ =	sdelay $0x3  }
0x94: {  	_ =	strace s2  }
0x95: {  	s2 =	sld [smem:$0x3FFD];
	_ =	sdelay $0x3  }
0x96: {  	_ =	strace s2  }
0x97: {  	_ =	strace $0x8FFFFFFF  }
0x98: {  	s18 =	sld [smem:$0x3FDB];
	_ =	sdelay $0x1  }
0x99: {  	s19 =	simm.s32 $_scs_section_size  }
0x9a: {  	s4 =	simm.s32 $_size__tile_overlayer_lowered;
	s5 =	simm.s32 $_tile_overlayer_lowered  }
0x9b: {  	s22 =	simm.s32 $0x1BFF;
	s21 =	sshll.u32 s5, $0x1;
	s2 =	sadd.s32 s19, s18  }
0x9c: {  	s6 =	simm.s32 $0x0;
	s20 =	sshll.u32 s4, $0x1;
	s4 =	sadd.s32 s21, s2  }
0x9d: {  	[timem:s6], [sflag:s22] =	dma.local [hbm:s4], s20  }
0x9e: {  	_ =	swait.ge [sflag:s22], s20  }
0x9f: {  	s3 =	ssub.s32 $0x0, s20;
	[sflag:s22] =	ssyncset.done $0x0  }
0xa0: {  	[sflag:s22] =	ssyncadd.s32 s3;
	_ =	sdelay $0x1  }
0xa1: {  	s23 =	simm.s32 $0x1B8B  }
0xa2: {  	_ =	swait.ge [sflag:s23], $0x1  }
0xa3: {  	[sflag:s23] =	ssyncset.done $0x0  }
0xa4: {  	s25 =	simm.s32 $0x1B8E;
	s24 =	sld [smem:$0x3FFE];
	[sflag:s23] =	ssyncadd.s32 $0xFFFFFFFF  }
0xa5: {  	s26 =	simm.s32 $execute0_lowered;
	[smem:$0x3FD2] =	sst s25  }
0xa6: {  	s4 =	sshll.u32 s26, $0x1;
	_ =	strace $0x80000046;
	[dreg:$0x1] =	wrdreg $0xFFFFFFFF  }
0xa7: {  	s28 =	simm.s32 $_size_execute0_lowered;
	s2 =	sadd.s32 s2, s4;
	[dreg:$0x0] =	wrdreg $0x0  }
0xa8: {  	s4 =	sshll.u32 s28, $0x1;
	[dreg:$0x2] =	wrdreg s2  }
0xa9: {  	[dreg:$0x3] =	wrdreg s4  }
0xaa: {  	[dreg:$0x4] =	wrdreg $0xC0  }
0xab: {  	_ =	task [dreg:s6], $0x5FFFF  }
0xac: {  	[dreg:$0x1] =	wrdreg $0xFFFFFFFF  }
0xad: {  	[dreg:$0x0] =	wrdreg $0x60  }
0xae: {  	[dreg:$0x2] =	wrdreg s24  }
0xaf: {  	[dreg:$0x3] =	wrdreg $0x199000  }
0xb0: {  	[dreg:$0x4] =	wrdreg $0x189000  }
0xb1: {  	[dreg:$0x5] =	wrdreg $0x9  }
0xb2: {  	_ =	task.clear_ibuf [dreg:s6], $0x6FFFF;
	_ =	strace $0x90000046  }
0xb3: {  	s29 =	simm.s32 $0x9;
	_ =	strace $0x80000048  }
0xb4: {  	_ =	swait.ge [sflag:s29], $0x1  }
0xb5: {  	[sflag:s29] =	ssyncadd.s32 $0xFFFFFFFF  }
0xb6: {  	_ =	strace $0x90000048  }
0xb7: {  	_ =	sfence  }
0xb8: {  	s30 =	sld [smem:$0x0];
	_ =	sdelay $0x2  }
0xb9: {  	s31 =	sshll.u32 s1, $0xD;
	s1 =	sshrl.u32 s1, $0x2  }
0xba: {  	s3 =	sand.u32 $0x4000, s31;
	s1 =	sadd.s32 s1, s30  }
0xbb: {  	s0 =	sor.u32 s3, s0;
	s1 =	sshll.u32 s1, $0x11  }
0xbc: {  	s0 =	sor.u32 s1, s0  }
0xbd: {  	s0 =	sadd.s32 $0x8F2B, s0  }
0xbe: {  	[sflag:s0] =	ssyncadd.remote.s32 $0x1  }
0xbf: {  	_ =	sfence.sel $0xFFFF  }
0xc0: {  	[dreg:$0x0] =	wrdreg $0xFFFFFFFF;
	(pc) =	sbr.abs _section_cstart, $3  }
0xc1: {  	[dreg:$0x1] =	wrdreg $0xFFFFFFFF  }
0xc2: {  	_ =	task.clear_ibuf [dreg:s6], $0x2FFFF;
	_ =	strace $0x9FFFFFFF  }
0xc3: {  	(tm) =	ssettm $0x7FFFFFFF  }
tec
execute0_lowered:
.L_overlay_start_1:
0x0: {  	(tag) =	ssettag $0x1  }
0x1: {  	s1 =	rddreg [dreg:$0x0]  }
0x2: {  	s8 =	rddreg [dreg:$0x1]  }
0x3: {  	s3 =	rddreg [dreg:$0x2];
	s9 =	simm.s32 $0x0;
	s0 =	srdreg.scid  }
0x4: {  	s12 =	stileid.u32;
	s28 =	simm.s32 $0x5;
	s29 =	simm.s32 $0x18000  }
0x5: {  	s30 =	simm.s32 $0xB00;
	[smem:$0x7FF] =	sst s9;
	s0 =	sand.u32 $0x1, s0  }
0x6: {  	s7 =	sshll.u32 s12, $0x11;
	s14 =	sshll.u32 s12, $0xC;
	s5 =	sshll.u32 s12, $0x7  }
0x7: {  	_ =	strace $0x80000047;
	s2 =	ssub.s32 $0x2, s0;
	s6 =	sshll.u32 s0, $0x7  }
0x8: {  	s22 =	sadd.s32 s14, s3;
	s17 =	sadd.s32 s5, s8;
	s4 =	sshrl.u32 s2, $0x1  }
0x9: {  	s15 =	sor.u32 s6, s7;
	[dreg:$0x7] =	wrdreg s17;
	s13 =	ssub.s32 s2, s4  }
0xa: {  	[dreg:$0x5] =	wrdreg s22;
	s16 =	sshrl.u32 s15, $0x3;
	s0 =	smax.u32 s13, $0x1  }
0xb: {  	s31 =	simm.s32 $0xB80;
	s2 =	sadd.s32 s1, s16;
	[dreg:$0x8] =	wrdreg s0  }
0xc: {  	s11 =	simm.s32 $0xE00;
	s18 =	sadd.s32 $0x40000, s2;
	[dreg:$0x6] =	wrdreg s2  }
0xd: {  	v2 =	vmov s12;
	s12 =	simm.s32 $0xE80;
	s19 =	sadd.s32 $0x40800, s2;
	[dreg:$0x9] =	wrdreg s18  }
0xe: {  	s5 =	simm.s32 $0xC80;
	s20 =	sadd.s32 $0x41000, s2;
	[dreg:$0xa] =	wrdreg s19  }
0xf: {  	s14 =	simm.s32 $0xF80;
	s21 =	sadd.s32 $0x41800, s2;
	[dreg:$0xb] =	wrdreg s20  }
0x10: {  	s10 =	sor.u32 $0x2000, s15;
	s23 =	sadd.s32 $0x42000, s2;
	[dreg:$0xc] =	wrdreg s21  }
0x11: {  	v0 =	vimm.f32 $1.000000000e+00;
	v1 =	vimm.f32 $0.0e+00;
	s15 =	simm.s32 $0x17000;
	s24 =	sadd.s32 $0x42800, s2;
	[dreg:$0xd] =	wrdreg s23  }
0x12: {  	vm0 =	veq.s32 v2, $0xF;
	vm1 =	vgt.u32 v2, $0xD;
	vm2 =	vgt.u32 v2, $0xC;
	s13 =	simm.s32 $0xF00;
	s25 =	sadd.s32 $0x43000, s2;
	[dreg:$0xe] =	wrdreg s24  }
0x13: {  	vm3 =	vgt.u32 v2, $0xB;
	vm4 =	vgt.u32 v2, $0xA;
	vm5 =	vgt.u32 v2, $0x9;
	s26 =	sadd.s32 $0x43800, s2;
	s0 =	simm.s32 $0xC00;
	[dreg:$0xf] =	wrdreg s25  }
0x14: {  	vm6 =	vgt.u32 v2, $0x8;
	vm7 =	vgt.u32 v2, $0x7;
	vm8 =	vgt.u32 v2, $0x6;
	s2 =	simm.s32 $0xD00;
	[dreg:$0x10] =	wrdreg s26;
	s23 =	simm.s32 $0x80  }
0x15: {  	vm9 =	vgt.u32 v2, $0x5;
	vm10 =	vgt.u32 v2, $0x4;
	vm11 =	vgt.u32 v2, $0x3;
	s24 =	simm.s32 $0x100;
	s25 =	simm.s32 $0x11000;
	s26 =	simm.s32 $0x2  }
0x16: {  	vm12 =	vgt.u32 v2, $0x2;
	vm13 =	vgt.u32 v2, $0x1;
	vm14 =	veq.s32 v2, $0x0;
	s18 =	simm.s32 $0x3;
	s19 =	simm.s32 $0x1;
	s21 =	simm.s32 $0xD80  }
.LBB2_1:
0x17: {  	[tilespmem:$0x18000] =	vst v0  }
0x18: {  	[tilespmem:$0x18010] =	vst v0  }
0x19: {  	[tilespmem:$0x18020] =	vst v0  }
0x1a: {  	[tilespmem:$0x18030] =	vst v0  }
0x1b: {  	[tilespmem:$0x18040] =	vst v0  }
0x1c: {  	[tilespmem:$0x18050] =	vst v0  }
0x1d: {  	[tilespmem:$0x18060] =	vst v0  }
0x1e: {  	[dreg:$0x4] =	wrdreg s9;
	[tilespmem:$0x18070] =	vst v0;
	s4 =	simm.s32 $0x40;
	s8 =	simm.s32 $0x0  }
.LBB2_2:
0x1f: {  	p0 =	sne.s32 s4, $0x3FC0;
	[tilespmem:s8+$0x17000] =	vst v1;
	s8 =	smov.u32 s4;
	s4 =	sadd.s32 $0x40, s4  }
.Ltmp0:
0x20: {  	(pc) =	sbr.rel @p0 .LBB2_2-.Ltmp0, $2  }
0x21: {  	_ =	sdelay $0x2  }
0x22: {  	s8 =	sshra.s32 s8, $0x2  }
0x23: {  	[tilespmem:s8+$0x17000] =	vst v1  }
0x24: {  	[spmem:s22] =	stream.linear.scatter [tilespmem:s15], [sflag:$0x5], $0x1000, $0x38;
	[tilespmem:$0x19980] =	vst v63  }
0x25: {  	_ =	swait.ge [sflag:s28], $0x1000  }
0x26: {  	[sflag:s28] =	ssyncset.done $0x0  }
0x27: {  	[sflag:s28] =	ssyncadd.s32 $0xFFFFF000  }
0x28: {  	s16 =	simm.s32 $0x1000;
	[bflag:$0x0] =	sbarrier.arrive $0xFFFF  }
0x29: {  	s17 =	simm.s32 $0x1800;
	s15 =	simm.s32 $0x0;
	s4 =	rddreg [dreg:$0x6]  }
0x2a: {  	[tilespmem:s25], [sflag:$0x2] =	stream.strided.gather [hbm4b:s4+s23], $0x800, s24, s23, $0x38;
	[tilespmem:$0x19980] =	vst v63  }
.LBB2_4:
0x2b: {  	s4 =	sshll.u32 s15, $0xD  }
0x2c: {  	s4 =	sadd.s32 s4, s7  }
0x2d: {  	s4 =	sadd.s32 s6, s4  }
0x2e: {  	_ =	swait.ge [sflag:s26], $0x800;
	s4 =	sadd.s32 $0x1000, s4  }
0x2f: {  	s8 =	simm.s32 $0x11800;
	[sflag:s26] =	ssyncset.done $0x0;
	s4 =	sshrl.u32 s4, $0x3  }
0x30: {  	s20 =	simm.s32 $0x0;
	[sflag:s26] =	ssyncadd.s32 $0xFFFFF800;
	s4 =	sadd.s32 s1, s4  }
0x31: {  	[tilespmem:s8], [sflag:$0x3] =	stream.strided.gather [hbm4b:s4+s23], $0x800, s24, s23, $0x38;
	[tilespmem:$0x19980] =	vst v63  }
0x32: {  	v3 =	vld [tilespmem:s20+$0x11000];
	_ =	sdelay $0x4  }
0x33: {  	v2 =	vmov s16;
	v4 =	vshra.s32 v3, $0x1F  }
0x34: {  	v4 =	vor.u32 $0x80000000, v4  }
0x35: {  	v3 =	vxor.u32 v3, v4  }
0x36: {  	v3 =	vshrl.u32 v3, $0x10  }
0x37: {  	[tilespmem:s20+$0x0] =	vst v3  }
0x38: {  	[tilespmem:v2+s20+$0x0 ss:$0x1] =	vst.idx.msk $0xffff, v3  }
0x39: {  	v3 =	vld [tilespmem:s20+$0x11010];
	_ =	sdelay $0x4  }
0x3a: {  	v4 =	vshra.s32 v3, $0x1F  }
0x3b: {  	v4 =	vor.u32 $0x80000000, v4  }
0x3c: {  	v3 =	vxor.u32 v3, v4  }
0x3d: {  	v3 =	vshrl.u32 v3, $0x10  }
0x3e: {  	[tilespmem:s20+$0x10] =	vst v3  }
0x3f: {  	[tilespmem:v2+s20+$0x10 ss:$0x1] =	vst.idx.msk $0xffff, v3  }
0x40: {  	v3 =	vld [tilespmem:s20+$0x11020];
	_ =	sdelay $0x4  }
0x41: {  	v4 =	vshra.s32 v3, $0x1F  }
0x42: {  	v4 =	vor.u32 $0x80000000, v4  }
0x43: {  	v3 =	vxor.u32 v3, v4  }
0x44: {  	v3 =	vshrl.u32 v3, $0x10  }
0x45: {  	[tilespmem:s20+$0x20] =	vst v3  }
0x46: {  	[tilespmem:v2+s20+$0x20 ss:$0x1] =	vst.idx.msk $0xffff, v3  }
0x47: {  	v3 =	vld [tilespmem:s20+$0x11030];
	_ =	sdelay $0x4  }
0x48: {  	v4 =	vshra.s32 v3, $0x1F  }
0x49: {  	v4 =	vor.u32 $0x80000000, v4  }
0x4a: {  	v3 =	vxor.u32 v3, v4  }
0x4b: {  	v3 =	vshrl.u32 v3, $0x10  }
0x4c: {  	[tilespmem:s20+$0x30] =	vst v3  }
0x4d: {  	[tilespmem:v2+s20+$0x30 ss:$0x1] =	vst.idx.msk $0xffff, v3  }
0x4e: {  	v3 =	vld [tilespmem:s20+$0x11040];
	_ =	sdelay $0x4  }
0x4f: {  	v4 =	vshra.s32 v3, $0x1F  }
0x50: {  	v4 =	vor.u32 $0x80000000, v4  }
0x51: {  	v3 =	vxor.u32 v3, v4  }
0x52: {  	v3 =	vshrl.u32 v3, $0x10  }
0x53: {  	[tilespmem:s20+$0x40] =	vst v3  }
0x54: {  	[tilespmem:v2+s20+$0x40 ss:$0x1] =	vst.idx.msk $0xffff, v3  }
0x55: {  	v3 =	vld [tilespmem:s20+$0x11050];
	_ =	sdelay $0x4  }
0x56: {  	v4 =	vshra.s32 v3, $0x1F  }
0x57: {  	v4 =	vor.u32 $0x80000000, v4  }
0x58: {  	v3 =	vxor.u32 v3, v4  }
0x59: {  	v3 =	vshrl.u32 v3, $0x10  }
0x5a: {  	[tilespmem:s20+$0x50] =	vst v3  }
0x5b: {  	[tilespmem:v2+s20+$0x50 ss:$0x1] =	vst.idx.msk $0xffff, v3  }
0x5c: {  	v3 =	vld [tilespmem:s20+$0x11060];
	_ =	sdelay $0x4  }
0x5d: {  	v4 =	vshra.s32 v3, $0x1F  }
0x5e: {  	v4 =	vor.u32 $0x80000000, v4  }
0x5f: {  	v3 =	vxor.u32 v3, v4  }
0x60: {  	v3 =	vshrl.u32 v3, $0x10  }
0x61: {  	[tilespmem:s20+$0x60] =	vst v3  }
0x62: {  	[tilespmem:v2+s20+$0x60 ss:$0x1] =	vst.idx.msk $0xffff, v3  }
0x63: {  	v3 =	vld [tilespmem:s20+$0x11070];
	_ =	sdelay $0x4  }
0x64: {  	v4 =	vshra.s32 v3, $0x1F  }
0x65: {  	v4 =	vor.u32 $0x80000000, v4  }
0x66: {  	v3 =	vxor.u32 v3, v4  }
0x67: {  	v3 =	vshrl.u32 v3, $0x10  }
0x68: {  	s9 =	simm.s32 $0x200;
	s8 =	simm.s32 $0x400;
	[tilespmem:s20+$0x70] =	vst v3  }
.LBB2_5:
0x69: {  	p0 =	sne.s32 s8, $0x1E00  }
0x6a: {  	[tilespmem:v2+s20+$0x70 ss:$0x1] =	vst.idx.msk $0xffff, v3;
	s20 =	sshra.s32 s9, $0x2;
	s9 =	smov.u32 s8;
	s8 =	sadd.s32 $0x200, s8  }
0x6b: {  	v3 =	vld [tilespmem:s20+$0x11000];
	_ =	sdelay $0x4  }
0x6c: {  	v4 =	vshra.s32 v3, $0x1F  }
0x6d: {  	v4 =	vor.u32 $0x80000000, v4  }
0x6e: {  	v3 =	vxor.u32 v3, v4  }
0x6f: {  	v3 =	vshrl.u32 v3, $0x10  }
0x70: {  	[tilespmem:s20+$0x0] =	vst v3  }
0x71: {  	[tilespmem:v2+s20+$0x0 ss:$0x1] =	vst.idx.msk $0xffff, v3  }
0x72: {  	v3 =	vld [tilespmem:s20+$0x11010];
	_ =	sdelay $0x4  }
0x73: {  	v4 =	vshra.s32 v3, $0x1F  }
0x74: {  	v4 =	vor.u32 $0x80000000, v4  }
0x75: {  	v3 =	vxor.u32 v3, v4  }
0x76: {  	v3 =	vshrl.u32 v3, $0x10  }
0x77: {  	[tilespmem:s20+$0x10] =	vst v3  }
0x78: {  	[tilespmem:v2+s20+$0x10 ss:$0x1] =	vst.idx.msk $0xffff, v3  }
0x79: {  	v3 =	vld [tilespmem:s20+$0x11020];
	_ =	sdelay $0x4  }
0x7a: {  	v4 =	vshra.s32 v3, $0x1F  }
0x7b: {  	v4 =	vor.u32 $0x80000000, v4  }
0x7c: {  	v3 =	vxor.u32 v3, v4  }
0x7d: {  	v3 =	vshrl.u32 v3, $0x10  }
0x7e: {  	[tilespmem:s20+$0x20] =	vst v3  }
0x7f: {  	[tilespmem:v2+s20+$0x20 ss:$0x1] =	vst.idx.msk $0xffff, v3  }
0x80: {  	v3 =	vld [tilespmem:s20+$0x11030];
	_ =	sdelay $0x4  }
0x81: {  	v4 =	vshra.s32 v3, $0x1F  }
0x82: {  	v4 =	vor.u32 $0x80000000, v4  }
0x83: {  	v3 =	vxor.u32 v3, v4  }
0x84: {  	v3 =	vshrl.u32 v3, $0x10  }
0x85: {  	[tilespmem:s20+$0x30] =	vst v3  }
0x86: {  	[tilespmem:v2+s20+$0x30 ss:$0x1] =	vst.idx.msk $0xffff, v3  }
0x87: {  	v3 =	vld [tilespmem:s20+$0x11040];
	_ =	sdelay $0x4  }
0x88: {  	v4 =	vshra.s32 v3, $0x1F  }
0x89: {  	v4 =	vor.u32 $0x80000000, v4  }
0x8a: {  	v3 =	vxor.u32 v3, v4  }
0x8b: {  	v3 =	vshrl.u32 v3, $0x10  }
0x8c: {  	[tilespmem:s20+$0x40] =	vst v3  }
0x8d: {  	[tilespmem:v2+s20+$0x40 ss:$0x1] =	vst.idx.msk $0xffff, v3  }
0x8e: {  	v3 =	vld [tilespmem:s20+$0x11050];
	_ =	sdelay $0x4  }
0x8f: {  	v4 =	vshra.s32 v3, $0x1F  }
0x90: {  	v4 =	vor.u32 $0x80000000, v4  }
0x91: {  	v3 =	vxor.u32 v3, v4  }
0x92: {  	v3 =	vshrl.u32 v3, $0x10  }
0x93: {  	[tilespmem:s20+$0x50] =	vst v3  }
0x94: {  	[tilespmem:v2+s20+$0x50 ss:$0x1] =	vst.idx.msk $0xffff, v3  }
0x95: {  	v3 =	vld [tilespmem:s20+$0x11060];
	_ =	sdelay $0x4  }
0x96: {  	v4 =	vshra.s32 v3, $0x1F  }
0x97: {  	v4 =	vor.u32 $0x80000000, v4  }
0x98: {  	v3 =	vxor.u32 v3, v4  }
0x99: {  	v3 =	vshrl.u32 v3, $0x10  }
0x9a: {  	[tilespmem:s20+$0x60] =	vst v3  }
0x9b: {  	[tilespmem:v2+s20+$0x60 ss:$0x1] =	vst.idx.msk $0xffff, v3  }
0x9c: {  	v3 =	vld [tilespmem:s20+$0x11070];
	_ =	sdelay $0x4  }
.Ltmp1:
0x9d: {  	v4 =	vshra.s32 v3, $0x1F;
	(pc) =	sbr.rel @p0 .LBB2_5-.Ltmp1, $4  }
0x9e: {  	v4 =	vor.u32 $0x80000000, v4  }
0x9f: {  	v3 =	vxor.u32 v3, v4  }
0xa0: {  	v3 =	vshrl.u32 v3, $0x10  }
0xa1: {  	[tilespmem:s20+$0x70] =	vst v3  }
0xa2: {  	_ =	sdelay $0x3  }
0xa3: {  	s4 =	sshra.s32 s9, $0x2;
	[tilespmem:v2+s20+$0x70 ss:$0x1] =	vst.idx.msk $0xffff, v3  }
0xa4: {  	v3 =	vld [tilespmem:s4+$0x11000];
	_ =	sdelay $0x4  }
0xa5: {  	v4 =	vshra.s32 v3, $0x1F  }
0xa6: {  	v4 =	vor.u32 $0x80000000, v4  }
0xa7: {  	v3 =	vxor.u32 v3, v4  }
0xa8: {  	v3 =	vshrl.u32 v3, $0x10  }
0xa9: {  	[tilespmem:s4+$0x0] =	vst v3  }
0xaa: {  	[tilespmem:v2+s4+$0x0 ss:$0x1] =	vst.idx.msk $0xffff, v3  }
0xab: {  	v3 =	vld [tilespmem:s4+$0x11010];
	_ =	sdelay $0x4  }
0xac: {  	v4 =	vshra.s32 v3, $0x1F  }
0xad: {  	v4 =	vor.u32 $0x80000000, v4  }
0xae: {  	v3 =	vxor.u32 v3, v4  }
0xaf: {  	v3 =	vshrl.u32 v3, $0x10  }
0xb0: {  	[tilespmem:s4+$0x10] =	vst v3  }
0xb1: {  	[tilespmem:v2+s4+$0x10 ss:$0x1] =	vst.idx.msk $0xffff, v3  }
0xb2: {  	v3 =	vld [tilespmem:s4+$0x11020];
	_ =	sdelay $0x4  }
0xb3: {  	v4 =	vshra.s32 v3, $0x1F  }
0xb4: {  	v4 =	vor.u32 $0x80000000, v4  }
0xb5: {  	v3 =	vxor.u32 v3, v4  }
0xb6: {  	v3 =	vshrl.u32 v3, $0x10  }
0xb7: {  	[tilespmem:s4+$0x20] =	vst v3  }
0xb8: {  	[tilespmem:v2+s4+$0x20 ss:$0x1] =	vst.idx.msk $0xffff, v3  }
0xb9: {  	v3 =	vld [tilespmem:s4+$0x11030];
	_ =	sdelay $0x4  }
0xba: {  	v4 =	vshra.s32 v3, $0x1F  }
0xbb: {  	v4 =	vor.u32 $0x80000000, v4  }
0xbc: {  	v3 =	vxor.u32 v3, v4  }
0xbd: {  	v3 =	vshrl.u32 v3, $0x10  }
0xbe: {  	[tilespmem:s4+$0x30] =	vst v3  }
0xbf: {  	[tilespmem:v2+s4+$0x30 ss:$0x1] =	vst.idx.msk $0xffff, v3  }
0xc0: {  	v3 =	vld [tilespmem:s4+$0x11040];
	_ =	sdelay $0x4  }
0xc1: {  	v4 =	vshra.s32 v3, $0x1F  }
0xc2: {  	v4 =	vor.u32 $0x80000000, v4  }
0xc3: {  	v3 =	vxor.u32 v3, v4  }
0xc4: {  	v3 =	vshrl.u32 v3, $0x10  }
0xc5: {  	[tilespmem:s4+$0x40] =	vst v3  }
0xc6: {  	[tilespmem:v2+s4+$0x40 ss:$0x1] =	vst.idx.msk $0xffff, v3  }
0xc7: {  	v3 =	vld [tilespmem:s4+$0x11050];
	_ =	sdelay $0x4  }
0xc8: {  	v4 =	vshra.s32 v3, $0x1F  }
0xc9: {  	v4 =	vor.u32 $0x80000000, v4  }
0xca: {  	v3 =	vxor.u32 v3, v4  }
0xcb: {  	v3 =	vshrl.u32 v3, $0x10  }
0xcc: {  	[tilespmem:s4+$0x50] =	vst v3  }
0xcd: {  	[tilespmem:v2+s4+$0x50 ss:$0x1] =	vst.idx.msk $0xffff, v3  }
0xce: {  	v3 =	vld [tilespmem:s4+$0x11060];
	_ =	sdelay $0x4  }
0xcf: {  	v4 =	vshra.s32 v3, $0x1F  }
0xd0: {  	v4 =	vor.u32 $0x80000000, v4  }
0xd1: {  	v3 =	vxor.u32 v3, v4  }
0xd2: {  	v3 =	vshrl.u32 v3, $0x10  }
0xd3: {  	[tilespmem:s4+$0x60] =	vst v3  }
0xd4: {  	[tilespmem:v2+s4+$0x60 ss:$0x1] =	vst.idx.msk $0xffff, v3  }
0xd5: {  	v3 =	vld [tilespmem:s4+$0x11070];
	_ =	sdelay $0x4  }
0xd6: {  	v4 =	vshra.s32 v3, $0x1F  }
0xd7: {  	v4 =	vor.u32 $0x80000000, v4  }
0xd8: {  	v3 =	vxor.u32 v3, v4  }
0xd9: {  	v3 =	vshrl.u32 v3, $0x10  }
0xda: {  	p0 =	seq.s32 s15, $0x0;
	[tilespmem:s4+$0x70] =	vst v3  }
0xdb: {  	[tilespmem:v2+s4+$0x70 ss:$0x1] =	vst.idx.msk $0xffff, v3;
	s4 =	simm.s32 @!p0 $0x1  }
0xdc: {  	_ =	swait.ge @!p0 [sflag:s4], $0x800  }
0xdd: {  	[sflag:s4] =	ssyncset.done @!p0 $0x0  }
0xde: {  	s9 =	simm.s32 $0x0;
	[sflag:s4] =	ssyncadd.s32 @!p0 $0xFFFFF800  }
0xdf: {  	[spmem:s3] =	stream.indirect.scatter.add.f32 [tilespmem:s29], [sflag:$0x1], $0x1, s9, s23, $0xb8;
	[tilespmem:$0x19980] =	vst v63  }
0xe0: {  	_ = 	snop  }
0xe1: {  	[spmem:s3] =	stream.indirect.scatter.add.f32 [tilespmem:s29], [sflag:$0x1], $0x1, s23, s23, $0xb8;
	[tilespmem:$0x19980] =	vst v63  }
0xe2: {  	_ = 	snop  }
0xe3: {  	[spmem:s3] =	stream.indirect.scatter.add.f32 [tilespmem:s29], [sflag:$0x1], $0x1, s24, s23, $0xb8;
	[tilespmem:$0x19980] =	vst v63  }
0xe4: {  	s20 =	simm.s32 $0x180  }
0xe5: {  	[spmem:s3] =	stream.indirect.scatter.add.f32 [tilespmem:s29], [sflag:$0x1], $0x1, s20, s23, $0xb8;
	[tilespmem:$0x19980] =	vst v63  }
0xe6: {  	s8 =	simm.s32 $0x200  }
0xe7: {  	[spmem:s3] =	stream.indirect.scatter.add.f32 [tilespmem:s29], [sflag:$0x1], $0x1, s8, s23, $0xb8;
	[tilespmem:$0x19980] =	vst v63  }
0xe8: {  	s9 =	simm.s32 $0x280  }
0xe9: {  	[spmem:s3] =	stream.indirect.scatter.add.f32 [tilespmem:s29], [sflag:$0x1], $0x1, s9, s23, $0xb8;
	[tilespmem:$0x19980] =	vst v63  }
0xea: {  	s20 =	simm.s32 $0x300  }
0xeb: {  	[spmem:s3] =	stream.indirect.scatter.add.f32 [tilespmem:s29], [sflag:$0x1], $0x1, s20, s23, $0xb8;
	[tilespmem:$0x19980] =	vst v63  }
0xec: {  	s8 =	simm.s32 $0x380  }
0xed: {  	[spmem:s3] =	stream.indirect.scatter.add.f32 [tilespmem:s29], [sflag:$0x1], $0x1, s8, s23, $0xb8;
	[tilespmem:$0x19980] =	vst v63  }
0xee: {  	s9 =	simm.s32 $0x400  }
0xef: {  	[spmem:s3] =	stream.indirect.scatter.add.f32 [tilespmem:s29], [sflag:$0x1], $0x1, s9, s23, $0xb8;
	[tilespmem:$0x19980] =	vst v63  }
0xf0: {  	s20 =	simm.s32 $0x480  }
0xf1: {  	[spmem:s3] =	stream.indirect.scatter.add.f32 [tilespmem:s29], [sflag:$0x1], $0x1, s20, s23, $0xb8;
	[tilespmem:$0x19980] =	vst v63  }
0xf2: {  	s8 =	simm.s32 $0x500  }
0xf3: {  	[spmem:s3] =	stream.indirect.scatter.add.f32 [tilespmem:s29], [sflag:$0x1], $0x1, s8, s23, $0xb8;
	[tilespmem:$0x19980] =	vst v63  }
0xf4: {  	s9 =	simm.s32 $0x580  }
0xf5: {  	[spmem:s3] =	stream.indirect.scatter.add.f32 [tilespmem:s29], [sflag:$0x1], $0x1, s9, s23, $0xb8;
	[tilespmem:$0x19980] =	vst v63  }
0xf6: {  	s20 =	simm.s32 $0x600  }
0xf7: {  	[spmem:s3] =	stream.indirect.scatter.add.f32 [tilespmem:s29], [sflag:$0x1], $0x1, s20, s23, $0xb8;
	[tilespmem:$0x19980] =	vst v63  }
0xf8: {  	s8 =	simm.s32 $0x680;
	s20 =	sshll.u32 s15, $0x1  }
0xf9: {  	[spmem:s3] =	stream.indirect.scatter.add.f32 [tilespmem:s29], [sflag:$0x1], $0x1, s8, s23, $0xb8;
	[tilespmem:$0x19980] =	vst v63  }
0xfa: {  	s9 =	simm.s32 $0x700;
	s4 =	smin.u32 s20, $0x1D  }
0xfb: {  	[spmem:s3] =	stream.indirect.scatter.add.f32 [tilespmem:s29], [sflag:$0x1], $0x1, s9, s23, $0xb8;
	[tilespmem:$0x19980] =	vst v63  }
0xfc: {  	s8 =	simm.s32 $0x780;
	s4 =	sshll.u32 s4, $0xC  }
0xfd: {  	[spmem:s3] =	stream.indirect.scatter.add.f32 [tilespmem:s29], [sflag:$0x1], $0x1, s8, s23, $0xb8;
	[tilespmem:$0x19980] =	vst v63  }
0xfe: {  	s4 =	sadd.s32 s4, s10;
	_ =	swait.ge [sflag:s18], $0x800  }
0xff: {  	s4 =	sshrl.u32 s4, $0x3;
	[sflag:s18] =	ssyncset.done $0x0  }
0x100: {  	s20 =	simm.s32 $0x0;
	s4 =	sadd.s32 s1, s4;
	[sflag:s18] =	ssyncadd.s32 $0xFFFFF800  }
0x101: {  	[tilespmem:s25], [sflag:$0x2] =	stream.strided.gather [hbm4b:s4+s23], $0x800, s24, s23, $0x38;
	[tilespmem:$0x19980] =	vst v63  }
0x102: {  	v3 =	vld [tilespmem:s20+$0x11800];
	_ =	sdelay $0x4  }
0x103: {  	v2 =	vmov s17;
	v4 =	vshra.s32 v3, $0x1F  }
0x104: {  	v4 =	vor.u32 $0x80000000, v4  }
0x105: {  	v3 =	vxor.u32 v3, v4  }
0x106: {  	v3 =	vshrl.u32 v3, $0x10  }
0x107: {  	[tilespmem:s20+$0x800] =	vst v3  }
0x108: {  	[tilespmem:v2+s20+$0x0 ss:$0x1] =	vst.idx.msk $0xffff, v3  }
0x109: {  	v3 =	vld [tilespmem:s20+$0x11810];
	_ =	sdelay $0x4  }
0x10a: {  	v4 =	vshra.s32 v3, $0x1F  }
0x10b: {  	v4 =	vor.u32 $0x80000000, v4  }
0x10c: {  	v3 =	vxor.u32 v3, v4  }
0x10d: {  	v3 =	vshrl.u32 v3, $0x10  }
0x10e: {  	[tilespmem:s20+$0x810] =	vst v3  }
0x10f: {  	[tilespmem:v2+s20+$0x10 ss:$0x1] =	vst.idx.msk $0xffff, v3  }
0x110: {  	v3 =	vld [tilespmem:s20+$0x11820];
	_ =	sdelay $0x4  }
0x111: {  	v4 =	vshra.s32 v3, $0x1F  }
0x112: {  	v4 =	vor.u32 $0x80000000, v4  }
0x113: {  	v3 =	vxor.u32 v3, v4  }
0x114: {  	v3 =	vshrl.u32 v3, $0x10  }
0x115: {  	[tilespmem:s20+$0x820] =	vst v3  }
0x116: {  	[tilespmem:v2+s20+$0x20 ss:$0x1] =	vst.idx.msk $0xffff, v3  }
0x117: {  	v3 =	vld [tilespmem:s20+$0x11830];
	_ =	sdelay $0x4  }
0x118: {  	v4 =	vshra.s32 v3, $0x1F  }
0x119: {  	v4 =	vor.u32 $0x80000000, v4  }
0x11a: {  	v3 =	vxor.u32 v3, v4  }
0x11b: {  	v3 =	vshrl.u32 v3, $0x10  }
0x11c: {  	[tilespmem:s20+$0x830] =	vst v3  }
0x11d: {  	[tilespmem:v2+s20+$0x30 ss:$0x1] =	vst.idx.msk $0xffff, v3  }
0x11e: {  	v3 =	vld [tilespmem:s20+$0x11840];
	_ =	sdelay $0x4  }
0x11f: {  	v4 =	vshra.s32 v3, $0x1F  }
0x120: {  	v4 =	vor.u32 $0x80000000, v4  }
0x121: {  	v3 =	vxor.u32 v3, v4  }
0x122: {  	v3 =	vshrl.u32 v3, $0x10  }
0x123: {  	[tilespmem:s20+$0x840] =	vst v3  }
0x124: {  	[tilespmem:v2+s20+$0x40 ss:$0x1] =	vst.idx.msk $0xffff, v3  }
0x125: {  	v3 =	vld [tilespmem:s20+$0x11850];
	_ =	sdelay $0x4  }
0x126: {  	v4 =	vshra.s32 v3, $0x1F  }
0x127: {  	v4 =	vor.u32 $0x80000000, v4  }
0x128: {  	v3 =	vxor.u32 v3, v4  }
0x129: {  	v3 =	vshrl.u32 v3, $0x10  }
0x12a: {  	[tilespmem:s20+$0x850] =	vst v3  }
0x12b: {  	[tilespmem:v2+s20+$0x50 ss:$0x1] =	vst.idx.msk $0xffff, v3  }
0x12c: {  	v3 =	vld [tilespmem:s20+$0x11860];
	_ =	sdelay $0x4  }
0x12d: {  	v4 =	vshra.s32 v3, $0x1F  }
0x12e: {  	v4 =	vor.u32 $0x80000000, v4  }
0x12f: {  	v3 =	vxor.u32 v3, v4  }
0x130: {  	v3 =	vshrl.u32 v3, $0x10  }
0x131: {  	[tilespmem:s20+$0x860] =	vst v3  }
0x132: {  	[tilespmem:v2+s20+$0x60 ss:$0x1] =	vst.idx.msk $0xffff, v3  }
0x133: {  	v3 =	vld [tilespmem:s20+$0x11870];
	_ =	sdelay $0x4  }
0x134: {  	v4 =	vshra.s32 v3, $0x1F  }
0x135: {  	v4 =	vor.u32 $0x80000000, v4  }
0x136: {  	v3 =	vxor.u32 v3, v4  }
0x137: {  	v3 =	vshrl.u32 v3, $0x10  }
0x138: {  	s9 =	simm.s32 $0x200;
	s8 =	simm.s32 $0x400;
	[tilespmem:s20+$0x870] =	vst v3  }
.LBB2_7:
0x139: {  	p0 =	sne.s32 s8, $0x1E00  }
0x13a: {  	[tilespmem:v2+s20+$0x70 ss:$0x1] =	vst.idx.msk $0xffff, v3;
	s20 =	sshra.s32 s9, $0x2;
	s9 =	smov.u32 s8;
	s8 =	sadd.s32 $0x200, s8  }
0x13b: {  	v3 =	vld [tilespmem:s20+$0x11800];
	_ =	sdelay $0x4  }
0x13c: {  	v4 =	vshra.s32 v3, $0x1F  }
0x13d: {  	v4 =	vor.u32 $0x80000000, v4  }
0x13e: {  	v3 =	vxor.u32 v3, v4  }
0x13f: {  	v3 =	vshrl.u32 v3, $0x10  }
0x140: {  	[tilespmem:s20+$0x800] =	vst v3  }
0x141: {  	[tilespmem:v2+s20+$0x0 ss:$0x1] =	vst.idx.msk $0xffff, v3  }
0x142: {  	v3 =	vld [tilespmem:s20+$0x11810];
	_ =	sdelay $0x4  }
0x143: {  	v4 =	vshra.s32 v3, $0x1F  }
0x144: {  	v4 =	vor.u32 $0x80000000, v4  }
0x145: {  	v3 =	vxor.u32 v3, v4  }
0x146: {  	v3 =	vshrl.u32 v3, $0x10  }
0x147: {  	[tilespmem:s20+$0x810] =	vst v3  }
0x148: {  	[tilespmem:v2+s20+$0x10 ss:$0x1] =	vst.idx.msk $0xffff, v3  }
0x149: {  	v3 =	vld [tilespmem:s20+$0x11820];
	_ =	sdelay $0x4  }
0x14a: {  	v4 =	vshra.s32 v3, $0x1F  }
0x14b: {  	v4 =	vor.u32 $0x80000000, v4  }
0x14c: {  	v3 =	vxor.u32 v3, v4  }
0x14d: {  	v3 =	vshrl.u32 v3, $0x10  }
0x14e: {  	[tilespmem:s20+$0x820] =	vst v3  }
0x14f: {  	[tilespmem:v2+s20+$0x20 ss:$0x1] =	vst.idx.msk $0xffff, v3  }
0x150: {  	v3 =	vld [tilespmem:s20+$0x11830];
	_ =	sdelay $0x4  }
0x151: {  	v4 =	vshra.s32 v3, $0x1F  }
0x152: {  	v4 =	vor.u32 $0x80000000, v4  }
0x153: {  	v3 =	vxor.u32 v3, v4  }
0x154: {  	v3 =	vshrl.u32 v3, $0x10  }
0x155: {  	[tilespmem:s20+$0x830] =	vst v3  }
0x156: {  	[tilespmem:v2+s20+$0x30 ss:$0x1] =	vst.idx.msk $0xffff, v3  }
0x157: {  	v3 =	vld [tilespmem:s20+$0x11840];
	_ =	sdelay $0x4  }
0x158: {  	v4 =	vshra.s32 v3, $0x1F  }
0x159: {  	v4 =	vor.u32 $0x80000000, v4  }
0x15a: {  	v3 =	vxor.u32 v3, v4  }
0x15b: {  	v3 =	vshrl.u32 v3, $0x10  }
0x15c: {  	[tilespmem:s20+$0x840] =	vst v3  }
0x15d: {  	[tilespmem:v2+s20+$0x40 ss:$0x1] =	vst.idx.msk $0xffff, v3  }
0x15e: {  	v3 =	vld [tilespmem:s20+$0x11850];
	_ =	sdelay $0x4  }
0x15f: {  	v4 =	vshra.s32 v3, $0x1F  }
0x160: {  	v4 =	vor.u32 $0x80000000, v4  }
0x161: {  	v3 =	vxor.u32 v3, v4  }
0x162: {  	v3 =	vshrl.u32 v3, $0x10  }
0x163: {  	[tilespmem:s20+$0x850] =	vst v3  }
0x164: {  	[tilespmem:v2+s20+$0x50 ss:$0x1] =	vst.idx.msk $0xffff, v3  }
0x165: {  	v3 =	vld [tilespmem:s20+$0x11860];
	_ =	sdelay $0x4  }
0x166: {  	v4 =	vshra.s32 v3, $0x1F  }
0x167: {  	v4 =	vor.u32 $0x80000000, v4  }
0x168: {  	v3 =	vxor.u32 v3, v4  }
0x169: {  	v3 =	vshrl.u32 v3, $0x10  }
0x16a: {  	[tilespmem:s20+$0x860] =	vst v3  }
0x16b: {  	[tilespmem:v2+s20+$0x60 ss:$0x1] =	vst.idx.msk $0xffff, v3  }
0x16c: {  	v3 =	vld [tilespmem:s20+$0x11870];
	_ =	sdelay $0x4  }
.Ltmp2:
0x16d: {  	v4 =	vshra.s32 v3, $0x1F;
	(pc) =	sbr.rel @p0 .LBB2_7-.Ltmp2, $4  }
0x16e: {  	v4 =	vor.u32 $0x80000000, v4  }
0x16f: {  	v3 =	vxor.u32 v3, v4  }
0x170: {  	v3 =	vshrl.u32 v3, $0x10  }
0x171: {  	[tilespmem:s20+$0x870] =	vst v3  }
0x172: {  	_ =	sdelay $0x3  }
0x173: {  	s4 =	sshra.s32 s9, $0x2;
	[tilespmem:v2+s20+$0x70 ss:$0x1] =	vst.idx.msk $0xffff, v3  }
0x174: {  	v3 =	vld [tilespmem:s4+$0x11800];
	_ =	sdelay $0x4  }
0x175: {  	v4 =	vshra.s32 v3, $0x1F  }
0x176: {  	v4 =	vor.u32 $0x80000000, v4  }
0x177: {  	v3 =	vxor.u32 v3, v4  }
0x178: {  	v3 =	vshrl.u32 v3, $0x10  }
0x179: {  	[tilespmem:s4+$0x800] =	vst v3  }
0x17a: {  	[tilespmem:v2+s4+$0x0 ss:$0x1] =	vst.idx.msk $0xffff, v3  }
0x17b: {  	v3 =	vld [tilespmem:s4+$0x11810];
	_ =	sdelay $0x4  }
0x17c: {  	v57 =	vshra.s32 v3, $0x1F  }
0x17d: {  	v4 =	vor.u32 $0x80000000, v57  }
0x17e: {  	v3 =	vxor.u32 v3, v4  }
0x17f: {  	v3 =	vshrl.u32 v3, $0x10  }
0x180: {  	[tilespmem:s4+$0x810] =	vst v3  }
0x181: {  	[tilespmem:v2+s4+$0x10 ss:$0x1] =	vst.idx.msk $0xffff, v3  }
0x182: {  	v3 =	vld [tilespmem:s4+$0x11820];
	_ =	sdelay $0x4  }
0x183: {  	v58 =	vshra.s32 v3, $0x1F  }
0x184: {  	v4 =	vor.u32 $0x80000000, v58  }
0x185: {  	v3 =	vxor.u32 v3, v4  }
0x186: {  	v3 =	vshrl.u32 v3, $0x10  }
0x187: {  	[tilespmem:s4+$0x820] =	vst v3  }
0x188: {  	[tilespmem:v2+s4+$0x20 ss:$0x1] =	vst.idx.msk $0xffff, v3  }
0x189: {  	v3 =	vld [tilespmem:s4+$0x11830];
	_ =	sdelay $0x4  }
0x18a: {  	v59 =	vshra.s32 v3, $0x1F  }
0x18b: {  	v4 =	vor.u32 $0x80000000, v59  }
0x18c: {  	v3 =	vxor.u32 v3, v4  }
0x18d: {  	v3 =	vshrl.u32 v3, $0x10  }
0x18e: {  	[tilespmem:s4+$0x830] =	vst v3  }
0x18f: {  	[tilespmem:v2+s4+$0x30 ss:$0x1] =	vst.idx.msk $0xffff, v3  }
0x190: {  	v3 =	vld [tilespmem:s4+$0x11840];
	_ =	sdelay $0x4  }
0x191: {  	v60 =	vshra.s32 v3, $0x1F  }
0x192: {  	v4 =	vor.u32 $0x80000000, v60  }
0x193: {  	v3 =	vxor.u32 v3, v4  }
0x194: {  	v3 =	vshrl.u32 v3, $0x10  }
0x195: {  	[tilespmem:s4+$0x840] =	vst v3  }
0x196: {  	[tilespmem:v2+s4+$0x40 ss:$0x1] =	vst.idx.msk $0xffff, v3  }
0x197: {  	v3 =	vld [tilespmem:s4+$0x11850];
	_ =	sdelay $0x4  }
0x198: {  	v61 =	vshra.s32 v3, $0x1F  }
0x199: {  	v4 =	vor.u32 $0x80000000, v61  }
0x19a: {  	v3 =	vxor.u32 v3, v4  }
0x19b: {  	v3 =	vshrl.u32 v3, $0x10  }
0x19c: {  	[tilespmem:s4+$0x850] =	vst v3  }
0x19d: {  	[tilespmem:v2+s4+$0x50 ss:$0x1] =	vst.idx.msk $0xffff, v3  }
0x19e: {  	v3 =	vld [tilespmem:s4+$0x11860];
	_ =	sdelay $0x4  }
0x19f: {  	v62 =	vshra.s32 v3, $0x1F  }
0x1a0: {  	v4 =	vor.u32 $0x80000000, v62  }
0x1a1: {  	v3 =	vxor.u32 v3, v4  }
0x1a2: {  	v3 =	vshrl.u32 v3, $0x10  }
0x1a3: {  	[tilespmem:s4+$0x860] =	vst v3  }
0x1a4: {  	[tilespmem:v2+s4+$0x60 ss:$0x1] =	vst.idx.msk $0xffff, v3  }
0x1a5: {  	v3 =	vld [tilespmem:s4+$0x11870];
	_ =	sdelay $0x4  }
0x1a6: {  	v63 =	vshra.s32 v3, $0x1F  }
0x1a7: {  	v4 =	vor.u32 $0x80000000, v63  }
0x1a8: {  	v3 =	vxor.u32 v3, v4  }
0x1a9: {  	v3 =	vshrl.u32 v3, $0x10  }
0x1aa: {  	[tilespmem:s4+$0x870] =	vst v3  }
0x1ab: {  	[tilespmem:v2+s4+$0x70 ss:$0x1] =	vst.idx.msk $0xffff, v3  }
0x1ac: {  	_ =	swait.ge [sflag:s19], $0x800  }
0x1ad: {  	[sflag:s19] =	ssyncset.done $0x0  }
0x1ae: {  	s8 =	simm.s32 $0x800;
	[sflag:s19] =	ssyncadd.s32 $0xFFFFF800  }
0x1af: {  	[spmem:s3] =	stream.indirect.scatter.add.f32 [tilespmem:s29], [sflag:$0x1], $0x1, s8, s23, $0xb8;
	[tilespmem:$0x19980] =	vst v63  }
0x1b0: {  	s9 =	simm.s32 $0x880  }
0x1b1: {  	[spmem:s3] =	stream.indirect.scatter.add.f32 [tilespmem:s29], [sflag:$0x1], $0x1, s9, s23, $0xb8;
	[tilespmem:$0x19980] =	vst v63  }
0x1b2: {  	s20 =	simm.s32 $0x900  }
0x1b3: {  	[spmem:s3] =	stream.indirect.scatter.add.f32 [tilespmem:s29], [sflag:$0x1], $0x1, s20, s23, $0xb8;
	[tilespmem:$0x19980] =	vst v63  }
0x1b4: {  	s8 =	simm.s32 $0x980  }
0x1b5: {  	[spmem:s3] =	stream.indirect.scatter.add.f32 [tilespmem:s29], [sflag:$0x1], $0x1, s8, s23, $0xb8;
	[tilespmem:$0x19980] =	vst v63  }
0x1b6: {  	s9 =	simm.s32 $0xA00  }
0x1b7: {  	[spmem:s3] =	stream.indirect.scatter.add.f32 [tilespmem:s29], [sflag:$0x1], $0x1, s9, s23, $0xb8;
	[tilespmem:$0x19980] =	vst v63  }
0x1b8: {  	s20 =	simm.s32 $0xA80  }
0x1b9: {  	[spmem:s3] =	stream.indirect.scatter.add.f32 [tilespmem:s29], [sflag:$0x1], $0x1, s20, s23, $0xb8;
	[tilespmem:$0x19980] =	vst v63  }
0x1ba: {  	_ = 	snop  }
0x1bb: {  	[spmem:s3] =	stream.indirect.scatter.add.f32 [tilespmem:s29], [sflag:$0x1], $0x1, s30, s23, $0xb8;
	[tilespmem:$0x19980] =	vst v63  }
0x1bc: {  	_ = 	snop  }
0x1bd: {  	[spmem:s3] =	stream.indirect.scatter.add.f32 [tilespmem:s29], [sflag:$0x1], $0x1, s31, s23, $0xb8;
	[tilespmem:$0x19980] =	vst v63  }
0x1be: {  	_ = 	snop  }
0x1bf: {  	[spmem:s3] =	stream.indirect.scatter.add.f32 [tilespmem:s29], [sflag:$0x1], $0x1, s0, s23, $0xb8;
	[tilespmem:$0x19980] =	vst v63  }
0x1c0: {  	_ = 	snop  }
0x1c1: {  	[spmem:s3] =	stream.indirect.scatter.add.f32 [tilespmem:s29], [sflag:$0x1], $0x1, s5, s23, $0xb8;
	[tilespmem:$0x19980] =	vst v63  }
0x1c2: {  	_ = 	snop  }
0x1c3: {  	[spmem:s3] =	stream.indirect.scatter.add.f32 [tilespmem:s29], [sflag:$0x1], $0x1, s2, s23, $0xb8;
	[tilespmem:$0x19980] =	vst v63  }
0x1c4: {  	_ = 	snop  }
0x1c5: {  	[spmem:s3] =	stream.indirect.scatter.add.f32 [tilespmem:s29], [sflag:$0x1], $0x1, s21, s23, $0xb8;
	[tilespmem:$0x19980] =	vst v63  }
0x1c6: {  	s15 =	sadd.s32 $0x1, s15  }
0x1c7: {  	[spmem:s3] =	stream.indirect.scatter.add.f32 [tilespmem:s29], [sflag:$0x1], $0x1, s11, s23, $0xb8;
	[tilespmem:$0x19980] =	vst v63  }
0x1c8: {  	p0 =	sne.s32 s15, $0x10  }
0x1c9: {  	[spmem:s3] =	stream.indirect.scatter.add.f32 [tilespmem:s29], [sflag:$0x1], $0x1, s12, s23, $0xb8;
	[tilespmem:$0x19980] =	vst v63  }
.Ltmp3:
0x1ca: {  	_ = 	snop;
	(pc) =	sbr.rel @p0 .LBB2_4-.Ltmp3, $4  }
0x1cb: {  	_ = 	snop  }
0x1cc: {  	[spmem:s3] =	stream.indirect.scatter.add.f32 [tilespmem:s29], [sflag:$0x1], $0x1, s13, s23, $0xb8;
	[tilespmem:$0x19980] =	vst v63  }
0x1cd: {  	s16 =	sadd.s32 $0x1000, s16;
	s17 =	sadd.s32 $0x1000, s17  }
0x1ce: {  	[spmem:s3] =	stream.indirect.scatter.add.f32 [tilespmem:s29], [sflag:$0x1], $0x1, s14, s23, $0xb8;
	[tilespmem:$0x19980] =	vst v63  }
0x1cf: {  	_ =	swait.ge [sflag:s19], $0x800  }
0x1d0: {  	[sflag:s19] =	ssyncset.done $0x0  }
0x1d1: {  	[sflag:s19] =	ssyncadd.s32 $0xFFFFF800  }
0x1d2: {  	_ =	swait.ge [sflag:s26], $0x800  }
0x1d3: {  	[sflag:s26] =	ssyncset.done $0x0  }
0x1d4: {  	[sflag:s26] =	ssyncadd.s32 $0xFFFFF800  }
0x1d5: {  	s4 =	simm.s32 $0x16000;
	[bflag:$0x0] =	sbarrier.arrive $0xFFFF  }
0x1d6: {  	[tilespmem:s4], [sflag:$0x5] =	stream.linear.gather [spmem:s22], $0x1000, $0x38;
	[tilespmem:$0x19980] =	vst v63  }
0x1d7: {  	_ =	swait.ge [sflag:s28], $0x1000  }
0x1d8: {  	[sflag:s28] =	ssyncset.done $0x0  }
0x1d9: {  	s8 =	simm.s32 $0x0;
	[sflag:s28] =	ssyncadd.s32 $0xFFFFF000  }
0x1da: {  	v2 =	vimm.f32 $0.0e+00;
	s4 =	simm.s32 $0x40;
	v3 =	vld [tilespmem:s8+$0x16000]  }
.LBB2_10:
0x1db: {  	p0 =	sne.s32 s4, $0x3FC0  }
.Ltmp4:
0x1dc: {  	_ = 	snop;
	(pc) =	sbr.rel @p0 .LBB2_10-.Ltmp4, $3  }
0x1dd: {  	_ =	sdelay $0x1  }
0x1de: {  	s8 =	sshra.s32 s4, $0x2;
	s4 =	sadd.s32 $0x40, s4;
	v2 =	vadd.f32 v3, v2  }
0x1df: {  	v3 =	vld [tilespmem:s8+$0x16000]  }
0x1e0: {  	_ =	sdelay $0x3  }
0x1e1: {  	v2 =	vadd.f32 v3, v2;
	_ =	sdelay $0x1  }
0x1e2: {  	(xrf2) =	vadd.scan.msk.f32 $0xffff, v2;
	_ =	sdelay $0x9  }
0x1e3: {  	v2, _, _ =	vpop (xrf2)  }
0x1e4: {  	v2 =	vbroadcast v2, $0xF;
	_ =	sdelay $0x1  }
0x1e5: {  	[tilespmem:$0x18080] =	vst v2  }
0x1e6: {  	[tilespmem:$0x18090] =	vst v2  }
0x1e7: {  	[tilespmem:$0x180A0] =	vst v2  }
0x1e8: {  	[tilespmem:$0x180B0] =	vst v2  }
0x1e9: {  	[tilespmem:$0x180C0] =	vst v2  }
0x1ea: {  	[tilespmem:$0x180D0] =	vst v2  }
0x1eb: {  	[tilespmem:$0x180E0] =	vst v2  }
0x1ec: {  	s4 =	rddreg [dreg:$0x7];
	s8 =	simm.s32 $0x18080;
	[tilespmem:$0x180F0] =	vst v2  }
0x1ed: {  	[spmem:s4] =	stream.linear.scatter [tilespmem:s8], [sflag:$0x5], $0x80, $0x38;
	[tilespmem:$0x19980] =	vst v63  }
0x1ee: {  	_ =	swait.ge [sflag:s28], $0x80  }
0x1ef: {  	[sflag:s28] =	ssyncset.done $0x0  }
0x1f0: {  	[sflag:s28] =	ssyncadd.s32 $0xFFFFFF80  }
0x1f1: {  	[bflag:$0x0] =	sbarrier.arrive $0xFFFF  }
0x1f2: {  	s16 =	simm.s32 $0x18100;
	s15 =	rddreg [dreg:$0x1]  }
0x1f3: {  	[tilespmem:s16], [sflag:$0x5] =	stream.linear.gather [spmem:s15], $0x800, $0x38;
	[tilespmem:$0x19980] =	vst v63  }
0x1f4: {  	_ =	swait.ge [sflag:s28], $0x800  }
0x1f5: {  	[sflag:s28] =	ssyncset.done $0x0  }
0x1f6: {  	[sflag:s28] =	ssyncadd.s32 $0xFFFFF800  }
0x1f7: {  	v2 =	vld [tilespmem:$0x18100];
	_ =	sdelay $0x1  }
0x1f8: {  	v3 =	vld [tilespmem:$0x18180];
	_ =	sdelay $0x1  }
0x1f9: {  	v4 =	vld [tilespmem:$0x18200]  }
0x1fa: {  	v2 =	vadd.f32 $0.0e+00, v2  }
0x1fb: {  	v5 =	vld [tilespmem:$0x18280]  }
0x1fc: {  	v3 =	vnsel vm13, $0x0, v3;
	v2 =	vsel vm14, $0x0, v2  }
0x1fd: {  	v2 =	vadd.f32 v3, v2;
	v3 =	vld [tilespmem:$0x18300]  }
0x1fe: {  	v4 =	vnsel vm12, $0x0, v4  }
0x1ff: {  	v2 =	vadd.f32 v4, v2;
	v4 =	vld [tilespmem:$0x18380]  }
0x200: {  	v5 =	vnsel vm11, $0x0, v5  }
0x201: {  	v2 =	vadd.f32 v5, v2;
	v5 =	vld [tilespmem:$0x18400]  }
0x202: {  	v3 =	vnsel vm10, $0x0, v3  }
0x203: {  	v2 =	vadd.f32 v3, v2;
	v3 =	vld [tilespmem:$0x18480]  }
0x204: {  	v4 =	vnsel vm9, $0x0, v4  }
0x205: {  	v2 =	vadd.f32 v4, v2;
	v4 =	vld [tilespmem:$0x18500]  }
0x206: {  	v5 =	vnsel vm8, $0x0, v5  }
0x207: {  	v2 =	vadd.f32 v5, v2;
	v5 =	vld [tilespmem:$0x18580]  }
0x208: {  	v3 =	vnsel vm7, $0x0, v3  }
0x209: {  	v2 =	vadd.f32 v3, v2;
	v3 =	vld [tilespmem:$0x18600]  }
0x20a: {  	v4 =	vnsel vm6, $0x0, v4  }
0x20b: {  	v2 =	vadd.f32 v4, v2;
	v4 =	vld [tilespmem:$0x18680]  }
0x20c: {  	v5 =	vnsel vm5, $0x0, v5  }
0x20d: {  	v2 =	vadd.f32 v5, v2;
	v5 =	vld [tilespmem:$0x18700]  }
0x20e: {  	v3 =	vnsel vm4, $0x0, v3  }
0x20f: {  	v2 =	vadd.f32 v3, v2;
	v3 =	vld [tilespmem:$0x18780]  }
0x210: {  	v4 =	vnsel vm3, $0x0, v4  }
0x211: {  	v2 =	vadd.f32 v4, v2;
	v4 =	vld [tilespmem:$0x18800]  }
0x212: {  	v5 =	vnsel vm2, $0x0, v5  }
0x213: {  	v2 =	vadd.f32 v5, v2  }
0x214: {  	v3 =	vnsel vm1, $0x0, v3  }
0x215: {  	v2 =	vadd.f32 v3, v2  }
0x216: {  	v3 =	vnsel vm0, $0x0, v4  }
0x217: {  	v2 =	vadd.f32 v3, v2;
	_ =	sdelay $0x1  }
0x218: {  	(xrf2) =	vadd.scan.msk.f32 $0xffff, v2;
	_ =	sdelay $0x9  }
0x219: {  	v2, _, _ =	vpop (xrf2)  }
0x21a: {  	(v2sf) =	vpush v2, $0xF;
	_ =	sdelay $0xc  }
0x21b: {  	s20 =	simm.s32 $0x16000  }
0x21c: {  	[tilespmem:s20], [sflag:$0x5] =	stream.linear.gather [spmem:s22], $0x1000, $0x38;
	[tilespmem:$0x19980] =	vst v63  }
0x21d: {  	s17 =	spop (v2sf)  }
0x21e: {  	_ =	swait.ge [sflag:s28], $0x1000  }
0x21f: {  	[sflag:s28] =	ssyncset.done $0x0  }
0x220: {  	s15 =	simm.s32 $0x0;
	[sflag:s28] =	ssyncadd.s32 $0xFFFFF000  }
0x221: {  	v2 =	vld [tilespmem:s15+$0x16000]  }
0x222: {  	s8 =	simm.s32 $0x10  }
0x223: {  	s9 =	simm.s32 $0x20;
	v3 =	vld [tilespmem:s8+$0x16000]  }
0x224: {  	v4 =	vld [tilespmem:s9+$0x16000];
	_ =	sdelay $0x1  }
0x225: {  	(xrf2) =	vadd.scan.msk.f32 $0xffff, v2;
	_ =	sdelay $0x1  }
0x226: {  	(xrf2) =	vadd.scan.msk.f32 $0xffff, v3  }
0x227: {  	(xrf2) =	vadd.scan.msk.f32 $0xffff, v4;
	_ =	sdelay $0x5  }
0x228: {  	v7 =	vadd.f32 $1.000000000e+00, v3  }
0x229: {  	v9, _, _ =	vpop (xrf2)  }
0x22a: {  	(v2sf) =	vpush v9, $0xF  }
0x22b: {  	s16 =	simm.s32 $0x30;
	v6, _, _ =	vpop (xrf2)  }
0x22c: {  	v5 =	vld [tilespmem:s16+$0x16000];
	v8 =	vadd.f32 $1.000000000e+00, v4;
	v4 =	vmul.f32 $-5.000000000e-01, v7;
	(v2sf) =	vpush v6, $0xF;
	v7, _, _ =	vpop (xrf2)  }
0x22d: {  	(v2sf) =	vpush v7, $0xF;
	_ =	sdelay $0x2  }
0x22e: {  	v2 =	vadd.f32 $1.000000000e+00, v2  }
0x22f: {  	s20 =	smul.f32 $6.250000000e-02, s17;
	s17 =	simm.s32 $0x40;
	(xrf2) =	vadd.scan.msk.f32 $0xffff, v5  }
0x230: {  	v3 =	vmul.f32 $-5.000000000e-01, v2;
	v2 =	vmul.f32 $-5.000000000e-01, v8;
	v8 =	vld [tilespmem:s17+$0x16000];
	_ =	sdelay $0x1  }
0x231: {  	v10 =	vadd.f32 $1.000000000e+00, v5;
	_ =	sdelay $0x1  }
0x232: {  	s4 =	simm.s32 $0x140;
	v5 =	vmul.f32 $-5.000000000e-01, v10;
	v9 =	vadd.f32 s20, v9  }
.LBB2_12:
0x233: {  	s22 =	sshra.s32 s4, $0x2;
	p0 =	sne.s32 s4, $0x3FC0;
	s4 =	sadd.s32 $0x40, s4;
	v10 =	vadd.f32 $1.000000000e+00, v8;
	(xrf2) =	vadd.scan.msk.f32 $0xffff, v8  }
.Ltmp5:
0x234: {  	v8 =	vld [tilespmem:s22+$0x16000];
	v9 =	vadd.f32 v3, v9;
	v3 =	vmovc v4;
	v4 =	vmov v2;
	v2 =	vmov v5;
	(pc) =	sbr.rel @p0 .LBB2_12-.Ltmp5, $4  }
0x235: {  	v5 =	vmul.f32 $-5.000000000e-01, v10;
	s28 =	spop (v2sf)  }
0x236: {  	[tilespmem:s15+$0x17000] =	vst v9;
	s20 =	sadd.f32 s28, s20;
	s15 =	smov.u32 s8;
	s8 =	smov.u32 s9  }
0x237: {  	s9 =	smov.u32 s16;
	s16 =	smov.u32 s17;
	s17 =	smov.u32 s22;
	v10, _, _ =	vpop (xrf2)  }
0x238: {  	(v2sf) =	vpush v10, $0xF;
	v9 =	vadd.f32 s20, v6;
	v6 =	vmovc v7;
	v7 =	vmov v10  }
0x239: {  	(xrf2) =	vadd.scan.msk.f32 $0xffff, v8;
	_ =	sdelay $0x3  }
0x23a: {  	v10, _, _ =	vpop (xrf2)  }
0x23b: {  	(v2sf) =	vpush v10, $0xF;
	_ =	sdelay $0x4  }
0x23c: {  	v11, _, _ =	vpop (xrf2)  }
0x23d: {  	(v2sf) =	vpush v11, $0xF;
	_ =	sdelay $0x2  }
0x23e: {  	s4 =	spop (v2sf)  }
0x23f: {  	s4 =	sadd.f32 s4, s20  }
0x240: {  	s22 =	spop (v2sf)  }
0x241: {  	s20 =	sadd.f32 s22, s4  }
0x242: {  	s22 =	spop (v2sf)  }
0x243: {  	s22 =	sadd.f32 s22, s20  }
0x244: {  	v6 =	vadd.f32 s4, v6;
	v7 =	vadd.f32 s20, v7;
	s20 =	spop (v2sf)  }
0x245: {  	v60 =	vadd.f32 $1.000000000e+00, v8;
	v3 =	vadd.f32 v3, v9;
	s4 =	sadd.f32 s20, s22  }
0x246: {  	v4 =	vadd.f32 v4, v6;
	v61 =	vadd.f32 s22, v10  }
0x247: {  	v62 =	vmul.f32 $-5.000000000e-01, v60;
	[tilespmem:s15+$0x17000] =	vst v3;
	v2 =	vadd.f32 v2, v7;
	v3 =	vadd.f32 s4, v11  }
0x248: {  	[tilespmem:s8+$0x17000] =	vst v4;
	v63 =	vadd.f32 v5, v61  }
0x249: {  	[tilespmem:s9+$0x17000] =	vst v2;
	v2 =	vadd.f32 v62, v3  }
0x24a: {  	[tilespmem:s16+$0x17000] =	vst v63;
	s15 =	spop (v2sf)  }
0x24b: {  	s28 =	simm.s32 $0x5;
	s22 =	rddreg [dreg:$0x5];
	[tilespmem:s17+$0x17000] =	vst v2;
	s15 =	simm.s32 $0x17000  }
0x24c: {  	[spmem:s22] =	stream.linear.scatter [tilespmem:s15], [sflag:$0x5], $0x1000, $0x38;
	[tilespmem:$0x19980] =	vst v63  }
0x24d: {  	_ =	swait.ge [sflag:s28], $0x1000  }
0x24e: {  	[sflag:s28] =	ssyncset.done $0x0  }
0x24f: {  	s8 =	simm.s32 $0x2000;
	[sflag:s28] =	ssyncadd.s32 $0xFFFFF000  }
0x250: {  	s9 =	simm.s32 $0x12000;
	s4 =	simm.s32 $0x1000;
	[bflag:$0x0] =	sbarrier.arrive $0xFFFF  }
0x251: {  	[tilespmem:s9], [sflag:$0x1] =	stream.indirect.gather [spmem:s3], $0x1, s4, s8, $0xb8;
	[tilespmem:$0x19980] =	vst v63  }
0x252: {  	_ =	swait.ge [sflag:s19], $0x2000  }
0x253: {  	[sflag:s19] =	ssyncset.done $0x0  }
0x254: {  	s16 =	rddreg [dreg:$0x9];
	[sflag:s19] =	ssyncadd.s32 $0xFFFFE000  }
0x255: {  	[hbm4b:s16+s23] =	stream.strided.scatter [tilespmem:s9], [sflag:$0x4], $0x2000, s24, s23, $0x38;
	[tilespmem:$0x19980] =	vst v63  }
0x256: {  	s17 =	simm.s32 $0x3000;
	s16 =	simm.s32 $0x14000  }
0x257: {  	[tilespmem:s16], [sflag:$0x1] =	stream.indirect.gather [spmem:s3], $0x1, s17, s8, $0xb8;
	[tilespmem:$0x19980] =	vst v63  }
0x258: {  	_ =	swait.ge [sflag:s19], $0x2000  }
0x259: {  	[sflag:s19] =	ssyncset.done $0x0  }
0x25a: {  	s17 =	simm.s32 $0x4;
	[sflag:s19] =	ssyncadd.s32 $0xFFFFE000  }
0x25b: {  	_ =	swait.ge [sflag:s17], $0x2000  }
0x25c: {  	[sflag:s17] =	ssyncset.done $0x0  }
0x25d: {  	s20 =	rddreg [dreg:$0xa];
	[sflag:s17] =	ssyncadd.s32 $0xFFFFE000  }
0x25e: {  	[hbm4b:s20+s23] =	stream.strided.scatter [tilespmem:s16], [sflag:$0x4], $0x2000, s24, s23, $0x38;
	[tilespmem:$0x19980] =	vst v63  }
0x25f: {  	s20 =	simm.s32 $0x5000  }
0x260: {  	[tilespmem:s9], [sflag:$0x1] =	stream.indirect.gather [spmem:s3], $0x1, s20, s8, $0xb8;
	[tilespmem:$0x19980] =	vst v63  }
0x261: {  	_ =	swait.ge [sflag:s19], $0x2000  }
0x262: {  	[sflag:s19] =	ssyncset.done $0x0  }
0x263: {  	[sflag:s19] =	ssyncadd.s32 $0xFFFFE000  }
0x264: {  	_ =	swait.ge [sflag:s17], $0x2000  }
0x265: {  	[sflag:s17] =	ssyncset.done $0x0  }
0x266: {  	s20 =	rddreg [dreg:$0xb];
	[sflag:s17] =	ssyncadd.s32 $0xFFFFE000  }
0x267: {  	[hbm4b:s20+s23] =	stream.strided.scatter [tilespmem:s9], [sflag:$0x4], $0x2000, s24, s23, $0x38;
	[tilespmem:$0x19980] =	vst v63  }
0x268: {  	s20 =	simm.s32 $0x7000  }
0x269: {  	[tilespmem:s16], [sflag:$0x1] =	stream.indirect.gather [spmem:s3], $0x1, s20, s8, $0xb8;
	[tilespmem:$0x19980] =	vst v63  }
0x26a: {  	_ =	swait.ge [sflag:s19], $0x2000  }
0x26b: {  	[sflag:s19] =	ssyncset.done $0x0  }
0x26c: {  	[sflag:s19] =	ssyncadd.s32 $0xFFFFE000  }
0x26d: {  	_ =	swait.ge [sflag:s17], $0x2000  }
0x26e: {  	[sflag:s17] =	ssyncset.done $0x0  }
0x26f: {  	s20 =	rddreg [dreg:$0xc];
	[sflag:s17] =	ssyncadd.s32 $0xFFFFE000  }
0x270: {  	[hbm4b:s20+s23] =	stream.strided.scatter [tilespmem:s16], [sflag:$0x4], $0x2000, s24, s23, $0x38;
	[tilespmem:$0x19980] =	vst v63  }
0x271: {  	s20 =	simm.s32 $0x9000  }
0x272: {  	[tilespmem:s9], [sflag:$0x1] =	stream.indirect.gather [spmem:s3], $0x1, s20, s8, $0xb8;
	[tilespmem:$0x19980] =	vst v63  }
0x273: {  	_ =	swait.ge [sflag:s19], $0x2000  }
0x274: {  	[sflag:s19] =	ssyncset.done $0x0  }
0x275: {  	[sflag:s19] =	ssyncadd.s32 $0xFFFFE000  }
0x276: {  	_ =	swait.ge [sflag:s17], $0x2000  }
0x277: {  	[sflag:s17] =	ssyncset.done $0x0  }
0x278: {  	s20 =	rddreg [dreg:$0xd];
	[sflag:s17] =	ssyncadd.s32 $0xFFFFE000  }
0x279: {  	[hbm4b:s20+s23] =	stream.strided.scatter [tilespmem:s9], [sflag:$0x4], $0x2000, s24, s23, $0x38;
	[tilespmem:$0x19980] =	vst v63  }
0x27a: {  	s20 =	simm.s32 $0xB000  }
0x27b: {  	[tilespmem:s16], [sflag:$0x1] =	stream.indirect.gather [spmem:s3], $0x1, s20, s8, $0xb8;
	[tilespmem:$0x19980] =	vst v63  }
0x27c: {  	_ =	swait.ge [sflag:s19], $0x2000  }
0x27d: {  	[sflag:s19] =	ssyncset.done $0x0  }
0x27e: {  	[sflag:s19] =	ssyncadd.s32 $0xFFFFE000  }
0x27f: {  	_ =	swait.ge [sflag:s17], $0x2000  }
0x280: {  	[sflag:s17] =	ssyncset.done $0x0  }
0x281: {  	s20 =	rddreg [dreg:$0xe];
	[sflag:s17] =	ssyncadd.s32 $0xFFFFE000  }
0x282: {  	[hbm4b:s20+s23] =	stream.strided.scatter [tilespmem:s16], [sflag:$0x4], $0x2000, s24, s23, $0x38;
	[tilespmem:$0x19980] =	vst v63  }
0x283: {  	s20 =	simm.s32 $0xD000  }
0x284: {  	[tilespmem:s9], [sflag:$0x1] =	stream.indirect.gather [spmem:s3], $0x1, s20, s8, $0xb8;
	[tilespmem:$0x19980] =	vst v63  }
0x285: {  	_ =	swait.ge [sflag:s19], $0x2000  }
0x286: {  	[sflag:s19] =	ssyncset.done $0x0  }
0x287: {  	[sflag:s19] =	ssyncadd.s32 $0xFFFFE000  }
0x288: {  	_ =	swait.ge [sflag:s17], $0x2000  }
0x289: {  	[sflag:s17] =	ssyncset.done $0x0  }
0x28a: {  	s20 =	rddreg [dreg:$0xf];
	[sflag:s17] =	ssyncadd.s32 $0xFFFFE000  }
0x28b: {  	[hbm4b:s20+s23] =	stream.strided.scatter [tilespmem:s9], [sflag:$0x4], $0x2000, s24, s23, $0x38;
	[tilespmem:$0x19980] =	vst v63  }
0x28c: {  	s20 =	simm.s32 $0xF000  }
0x28d: {  	[tilespmem:s16], [sflag:$0x1] =	stream.indirect.gather [spmem:s3], $0x1, s20, s8, $0xb8;
	[tilespmem:$0x19980] =	vst v63  }
0x28e: {  	_ =	swait.ge [sflag:s19], $0x2000  }
0x28f: {  	[sflag:s19] =	ssyncset.done $0x0  }
0x290: {  	[sflag:s19] =	ssyncadd.s32 $0xFFFFE000  }
0x291: {  	_ =	swait.ge [sflag:s17], $0x2000  }
0x292: {  	[sflag:s17] =	ssyncset.done $0x0  }
0x293: {  	s9 =	rddreg [dreg:$0x10];
	[sflag:s17] =	ssyncadd.s32 $0xFFFFE000  }
0x294: {  	[hbm4b:s9+s23] =	stream.strided.scatter [tilespmem:s16], [sflag:$0x4], $0x2000, s24, s23, $0x38;
	[tilespmem:$0x19980] =	vst v63  }
0x295: {  	_ =	swait.ge [sflag:s17], $0x2000  }
0x296: {  	s16 =	rddreg [dreg:$0x4]  }
0x297: {  	s20 =	rddreg [dreg:$0x8];
	s9 =	sadd.s32 $0x1, s16  }
0x298: {  	p0 =	sne.s32 s9, s20  }
.Ltmp6:
0x299: {  	_ = 	snop;
	(pc) =	sbr.rel @p0 .LBB2_1-.Ltmp6, $3  }
0x29a: {  	_ =	sdelay $0x1  }
0x29b: {  	[sflag:s17] =	ssyncset.done $0x0  }
0x29c: {  	[sflag:s17] =	ssyncadd.s32 $0xFFFFE000  }
0x29d: {  	_ =	sfence.sel $0x180000  }
0x29e: {  	[bflag:$0x0] =	sbarrier.arrive $0xFFFF  }
0x29f: {  	_ =	strace $0x90000047  }
0x2a0: {  	s0 =	stileid.u32;
	[bflag:$0x2] =	sbarrier.arrive $0xFFFF  }
0x2a1: {  	p0 =	sne.s32 s0, $0x0;
	s0 =	rddreg [dreg:$0x3]  }
0x2a2: {  	s0 =	sadd.s32 @!p0 $0x100000, s0  }
0x2a3: {  	[sflag:s0] =	ssyncadd.tile.s32 @!p0 $0x1;
	_ =	shalt  }
.Lfunc_end2:
_tile_overlayer_lowered:
.L_overlay_start_2:
0x2a4: {  	(tag) =	ssettag $0x2  }
0x2a5: {  	s0 =	rddreg [dreg:$0x0];
	s2 =	stileid.u32  }
0x2a6: {  	s1 =	rddreg [dreg:$0x1];
	p0 =	sne.s32 s2, $0x0  }
0x2a7: {  	s3 =	rddreg [dreg:$0x2];
	[bflag:$0x3] =	sbarrier.arrive $0xFFFF;
	s2 =	simm.s32 @!p0 $0x1C05  }
0x2a8: {  	[timem:s3], [sflag:s2] =	dma.local @!p0 [hbm:s0], s1  }
0x2a9: {  	s0 =	simm.s32 @!p0 $0x5  }
0x2aa: {  	_ =	swait.ge @!p0 [sflag:s0], s1  }
0x2ab: {  	s1 =	ssub.s32 @!p0 $0x0, s1;
	[sflag:s0] =	ssyncset.done @!p0 $0x0  }
0x2ac: {  	[sflag:s0] =	ssyncadd.s32 @!p0 s1  }
0x2ad: {  	[bflag:$0x3] =	sbarrier.arrive $0xFFFF  }
0x2ae: {  	_ =	shalt  }

</sc_bundles>
